<compile_context>
chip_gen: v7x
topology: tpu7x:2x2x1
jax: 0.10.2.dev20260603
libtpu: 0.0.44.dev20260713+nightly
codegen_flags: <defaults>
</compile_context>

<pallas_src>
import functools

import jax
import jax.numpy as jnp
from jax import lax
from jax.experimental import pallas as pl
from jax.experimental.pallas import tpu as pltpu
from jax.experimental.pallas import tpu_sc as plsc

B = 8
P = 2048
L = 16
INF = float("inf")

SCB = 2
BPC = SCB // 2
NW = 16 // BPC
CH = P // NW
RG = 8
NJ = P // L

TCB = B - SCB
BR = 1024
NBLK = P // BR


def _sc_kernel(c1_hbm, c2_hbm, out_hbm,
               c1_v, c2_v, m2_v, cmb_v, o_v, sh):
    c = lax.axis_index("c")
    s = lax.axis_index("s")
    b = c * BPC + s // NW
    q = s % NW

    pltpu.sync_copy(c1_hbm.at[b, :, pl.ds(q * CH, CH)], c1_v)
    pltpu.sync_copy(c2_hbm.at[b], c2_v)

    def pre2(k, _):
        m2_v[0, pl.ds(k * L, L)] = jnp.full((L,), INF, jnp.float32)
        return 0
    lax.fori_loop(0, NJ, pre2, 0)

    def outer(g, rowsum):
        pxv = c1_v[0, pl.ds(g * L, L)]
        pyv = c1_v[1, pl.ds(g * L, L)]
        pzv = c1_v[2, pl.ds(g * L, L)]
        for half in range(L // RG):
            px = [pxv[half * RG + r] for r in range(RG)]
            py = [pyv[half * RG + r] for r in range(RG)]
            pz = [pzv[half * RG + r] for r in range(RG)]

            def inner(j, carry):
                rm = list(carry)
                xv = c2_v[0, pl.ds(j * L, L)]
                yv = c2_v[1, pl.ds(j * L, L)]
                zv = c2_v[2, pl.ds(j * L, L)]
                u = []
                for r in range(RG):
                    dx = xv - px[r]
                    dy = yv - py[r]
                    dz = zv - pz[r]
                    t = dx * dx + dy * dy + dz * dz
                    rm[r] = jnp.minimum(rm[r], t)
                    u.append(t)
                while len(u) > 1:
                    u = [jnp.minimum(u[2 * i], u[2 * i + 1])
                         for i in range(len(u) // 2)]
                m2v = m2_v[0, pl.ds(j * L, L)]
                m2_v[0, pl.ds(j * L, L)] = jnp.minimum(m2v, u[0])
                return tuple(rm)

            init = (jnp.full((L,), INF, jnp.float32),) * RG
            rm = lax.fori_loop(0, NJ, inner, init)
            for r in range(RG):
                rowsum = rowsum + jnp.min(rm[r])
        return rowsum

    rowsum = lax.fori_loop(0, CH // L, outer, jnp.float32(0.0))

    m2_v[0, pl.ds(P, L)] = jnp.full((L,), rowsum, jnp.float32)
    pltpu.sync_copy(m2_v, sh.at[s])
    plsc.subcore_barrier()

    @pl.when(q == 0)
    def _combine():
        pltpu.sync_copy(sh.at[pl.ds(s, NW)], cmb_v)

        def red(k, acc):
            w = [cmb_v[r, 0, pl.ds(k * L, L)] for r in range(NW)]
            while len(w) > 1:
                w = [jnp.minimum(w[2 * i], w[2 * i + 1])
                     for i in range(len(w) // 2)]
            return acc + w[0]
        acc = lax.fori_loop(0, NJ, red, jnp.zeros((L,), jnp.float32))
        total2 = jnp.sum(acc)
        t1v = cmb_v[0, 0, pl.ds(P, L)]
        for r in range(1, NW):
            t1v = t1v + cmb_v[r, 0, pl.ds(P, L)]
        total1 = t1v[0]
        res = (total1 + total2) * jnp.float32(1.0 / P)
        o_v[0, :] = jnp.full((L,), res, jnp.float32)
        pltpu.sync_copy(o_v, out_hbm.at[b])


def _sc_cham(c1t, c2t):
    mesh = plsc.VectorSubcoreMesh(core_axis_name="c", subcore_axis_name="s")
    f = pl.kernel(
        _sc_kernel,
        mesh=mesh,
        compiler_params=pltpu.CompilerParams(needs_layout_passes=False),
        out_type=jax.ShapeDtypeStruct((SCB, 1, L), jnp.float32),
        scratch_types=[
            pltpu.VMEM((3, CH), jnp.float32),
            pltpu.VMEM((3, P), jnp.float32),
            pltpu.VMEM((1, P + L), jnp.float32),
            pltpu.VMEM((NW, 1, P + L), jnp.float32),
            pltpu.VMEM((1, L), jnp.float32),
            pltpu.VMEM_SHARED((16, 1, P + L), jnp.float32),
        ],
    )
    return f(c1t, c2t)


def _tc_kernel(c1_ref, c2_ref, out_ref, colmin_ref, rowsum_ref):
    j = pl.program_id(1)

    @pl.when(j == 0)
    def _init():
        colmin_ref[...] = jnp.full((1, P), jnp.inf, jnp.float32)
        rowsum_ref[...] = jnp.zeros((1, 128), jnp.float32)

    d = jnp.dot(c1_ref[0], c2_ref[0],
                preferred_element_type=jnp.float32,
                precision=lax.Precision.HIGHEST)
    colmin_ref[...] = jnp.minimum(colmin_ref[...],
                                  jnp.min(d, axis=0, keepdims=True))
    rowmin = jnp.min(d, axis=1, keepdims=True)
    rowsum_ref[...] += jnp.full((1, 128), jnp.sum(rowmin), jnp.float32)

    @pl.when(j == NBLK - 1)
    def _fin():
        total = rowsum_ref[0, 0] + jnp.sum(colmin_ref[...])
        out_ref[...] = jnp.full((1, 1, 128),
                                total * jnp.float32(1.0 / P), jnp.float32)


def _tc_cham(c1a, c2a):
    return pl.pallas_call(
        _tc_kernel,
        grid=(TCB, NBLK),
        in_specs=[
            pl.BlockSpec((1, BR, 8), lambda b, j: (b, j, 0)),
            pl.BlockSpec((1, 8, P), lambda b, j: (b, 0, 0)),
        ],
        out_specs=pl.BlockSpec((1, 1, 128), lambda b, j: (b, 0, 0)),
        out_shape=jax.ShapeDtypeStruct((TCB, 1, 128), jnp.float32),
        scratch_shapes=[
            pltpu.VMEM((1, P), jnp.float32),
            pltpu.VMEM((1, 128), jnp.float32),
        ],
    )(c1a, c2a)


@jax.jit
def _cham(c1t_sc, c2t_sc, c1a_tc, c2a_tc):
    out_sc = _sc_cham(c1t_sc, c2t_sc)
    out_tc = _tc_cham(c1a_tc, c2a_tc)
    return jnp.concatenate([out_sc[:, 0, 0], out_tc[:, 0, 0]])


def kernel(cloud1, cloud2):
    c1t = cloud1[:SCB].transpose(0, 2, 1)
    c2t = cloud2[:SCB].transpose(0, 2, 1)
    c1 = cloud1[SCB:]
    c2 = cloud2[SCB:]
    n1 = jnp.sum(c1 * c1, axis=2, keepdims=True)
    n2 = jnp.sum(c2 * c2, axis=2, keepdims=True)
    ones = jnp.ones((TCB, P, 1), jnp.float32)
    zeros = jnp.zeros((TCB, P, 3), jnp.float32)
    c1a = jnp.concatenate([c1, n1, ones, zeros], axis=2)
    c2a = jnp.concatenate([-2.0 * c2, ones, n2, zeros],
                          axis=2).transpose(0, 2, 1)
    return _cham(c1t, c2t, c1a, c2a)

# --- scband reference (transcript-rebuilt; emitter-appended) ---
"""Pipeline reference for scband-chamfer-loss-layer-33105607917718 (READ-ONLY COPY).

The authoritative reference and input builder live on the scoring server;
editing this copy changes nothing except your own understanding.
"""

import jax, jax.numpy as jnp
import numpy as np


def setup_inputs(seed: int = 0) -> dict:
    key = jax.random.key(seed)
    k1, k2 = jax.random.split(key)
    cloud1 = jax.random.normal(k1, (8, 2048, 3), dtype=jnp.float32)
    cloud2 = jax.random.normal(k2, (8, 2048, 3), dtype=jnp.float32)
    return {"cloud1": cloud1, "cloud2": cloud2}


def reference(cloud1, cloud2):
    # Faithful port of tfg.nn.loss.chamfer_distance.evaluate:
    # symmetric mean of min squared distances between the two clouds.
    # cloud1: (N, P1, 3), cloud2: (N, P2, 3)
    diff = cloud1[:, :, None, :] - cloud2[:, None, :, :]  # (N, P1, P2, 3)
    sq_dist = jnp.sum(diff * diff, axis=-1)               # (N, P1, P2)
    min_1_to_2 = jnp.min(sq_dist, axis=-1)                # (N, P1): nearest pt in cloud2
    min_2_to_1 = jnp.min(sq_dist, axis=-2)                # (N, P2): nearest pt in cloud1
    cham = jnp.mean(min_1_to_2, axis=-1) + jnp.mean(min_2_to_1, axis=-1)  # (N,)
    return cham

if __name__ == "__main__":
    import jax
    _d = setup_inputs()
    print(jax.jit(kernel)(*tuple(_d.values())))

</pallas_src>

<mosaic_0001>
#map = affine_map<(d0, d1) -> (0, 0, 0)>
module attributes {stable_mosaic.version = 14 : i64} {
  func.func @_sc_kernel(%arg0: i32, %arg1: i32, %arg2: memref<2x3x2048xf32, #tpu.memory_space<hbm>>, %arg3: memref<2x3x2048xf32, #tpu.memory_space<hbm>>, %arg4: memref<2x1x16xf32, #tpu.memory_space<hbm>>, %arg5: memref<3x128xf32, #tpu.memory_space<vmem>>, %arg6: memref<3x2048xf32, #tpu.memory_space<vmem>>, %arg7: memref<1x2064xf32, #tpu.memory_space<vmem>>, %arg8: memref<16x1x2064xf32, #tpu.memory_space<vmem>>, %arg9: memref<1x16xf32, #tpu.memory_space<vmem>>, %arg10: memref<16x1x2064xf32, #tpu.memory_space<vmem_shared>>) attributes {dimension_semantics = [#tpu.dimension_semantics<core_parallel>, #tpu.dimension_semantics<subcore_parallel>], iteration_bounds = array<i64: 2, 16>, scalar_prefetch = 0 : i64, scratch_operands = 6 : i64, tpu.core_type = #tpu.core_type<sc_vector_subcore>, window_params = [{transform_indices = #map}, {transform_indices = #map}, {transform_indices = #map}]} {
    %mul3A = arith.constant 1 : i32
    %mul3A_0 = arith.muli %arg0, %mul3A : i32
    %jit3A = arith.constant 16 : i32
    %div3A = arith.divsi %arg1, %jit3A : i32
    %sign3A = arith.constant 0 : i32
    %sign3A_1 = arith.cmpi sgt, %arg1, %sign3A : i32
    %sign3A_2 = arith.extui %sign3A_1 : i1 to i32
    %sign3A_3 = arith.constant 0 : i32
    %sign3A_4 = arith.cmpi slt, %arg1, %sign3A_3 : i32
    %sign3A_5 = arith.extui %sign3A_4 : i1 to i32
    %sign3A_6 = arith.subi %sign3A_2, %sign3A_5 : i32
    %sign3A_7 = arith.constant 0 : i32
    %sign3A_8 = arith.cmpi sgt, %jit3A, %sign3A_7 : i32
    %sign3A_9 = arith.extui %sign3A_8 : i1 to i32
    %sign3A_10 = arith.constant 0 : i32
    %sign3A_11 = arith.cmpi slt, %jit3A, %sign3A_10 : i32
    %sign3A_12 = arith.extui %sign3A_11 : i1 to i32
    %sign3A_13 = arith.subi %sign3A_9, %sign3A_12 : i32
    %ne3A = arith.cmpi ne, %sign3A_6, %sign3A_13 : i32
    %rem3A = arith.remsi %arg1, %jit3A : i32
    %ne3A_14 = arith.constant 0 : i32
    %ne3A_15 = arith.cmpi ne, %rem3A, %ne3A_14 : i32
    %and3A = arith.andi %ne3A, %ne3A_15 : i1
    %sub3A = arith.constant 1 : i32
    %sub3A_16 = arith.subi %div3A, %sub3A : i32
    %select_n3A = arith.select %and3A, %sub3A_16, %div3A : i32
    %add3A = arith.addi %mul3A_0, %select_n3A : i32
    %jit3A_17 = arith.constant 16 : i32
    %eq3A = arith.constant 0 : i32
    %eq3A_18 = arith.cmpi eq, %jit3A_17, %eq3A : i32
    %jit3A_19 = arith.constant 1 : i32
    %select_n3A_20 = arith.select %eq3A_18, %jit3A_19, %jit3A_17 : i32
    %rem3A_21 = arith.remsi %arg1, %select_n3A_20 : i32
    %ne3A_22 = arith.constant 0 : i32
    %ne3A_23 = arith.cmpi ne, %rem3A_21, %ne3A_22 : i32
    %lt3A = arith.constant 0 : i32
    %lt3A_24 = arith.cmpi slt, %rem3A_21, %lt3A : i32
    %lt3A_25 = arith.constant 0 : i32
    %lt3A_26 = arith.cmpi slt, %select_n3A_20, %lt3A_25 : i32
    %ne3A_27 = arith.xori %lt3A_24, %lt3A_26 : i1
    %and3A_28 = arith.andi %ne3A_27, %ne3A_23 : i1
    %add3A_29 = arith.addi %rem3A_21, %select_n3A_20 : i32
    %select_n3A_30 = arith.select %and3A_28, %add3A_29, %rem3A_21 : i32
    %mul3A_31 = arith.constant 128 : i32
    %mul3A_32 = arith.muli %select_n3A_30, %mul3A_31 : i32
    "tpu.region"() ({
      %run_scoped3A = tpu.sem_alloc : memref<!tpu.dma_semaphore, #tpu.memory_space<semaphore_mem>>
      %dma_start3A = arith.constant 0 : i32
      %dma_start3A_52 = tpu.memref_slice %arg2[%add3A, %dma_start3A, %mul3A_32] : memref<2x3x2048xf32, #tpu.memory_space<hbm>> -> memref<1x3x128xf32, #tpu.memory_space<hbm>>
      %dma_start3A_53 = tpu.memref_squeeze %dma_start3A_52 : memref<1x3x128xf32, #tpu.memory_space<hbm>> -> memref<3x128xf32, #tpu.memory_space<hbm>>
      %dma_start3A_54 = arith.constant 0 : i32
      %dma_start3A_55 = tpu.memref_slice %arg2[%add3A, %dma_start3A_54, %mul3A_32] : memref<2x3x2048xf32, #tpu.memory_space<hbm>> -> memref<1x3x128xf32, #tpu.memory_space<hbm>>
      %dma_start3A_56 = tpu.memref_squeeze %dma_start3A_55 : memref<1x3x128xf32, #tpu.memory_space<hbm>> -> memref<3x128xf32, #tpu.memory_space<hbm>>
      tpu.enqueue_dma source(%dma_start3A_56 : memref<3x128xf32, #tpu.memory_space<hbm>>) target(%arg5 : memref<3x128xf32, #tpu.memory_space<vmem>>) target_semaphore(%run_scoped3A : memref<!tpu.dma_semaphore, #tpu.memory_space<semaphore_mem>>)
      %dma_wait3A = arith.constant 0 : i32
      %dma_wait3A_57 = tpu.memref_slice %arg2[%add3A, %dma_wait3A, %mul3A_32] : memref<2x3x2048xf32, #tpu.memory_space<hbm>> -> memref<1x3x128xf32, #tpu.memory_space<hbm>>
      %dma_wait3A_58 = tpu.memref_squeeze %dma_wait3A_57 : memref<1x3x128xf32, #tpu.memory_space<hbm>> -> memref<3x128xf32, #tpu.memory_space<hbm>>
      %dma_wait3A_59 = arith.constant 0 : i32
      %dma_wait3A_60 = tpu.memref_slice %arg2[%add3A, %dma_wait3A_59, %mul3A_32] : memref<2x3x2048xf32, #tpu.memory_space<hbm>> -> memref<1x3x128xf32, #tpu.memory_space<hbm>>
      %dma_wait3A_61 = tpu.memref_squeeze %dma_wait3A_60 : memref<1x3x128xf32, #tpu.memory_space<hbm>> -> memref<3x128xf32, #tpu.memory_space<hbm>>
      tpu.wait_dma2 semaphore(%run_scoped3A : memref<!tpu.dma_semaphore, #tpu.memory_space<semaphore_mem>>) src(%dma_wait3A_61 : memref<3x128xf32, #tpu.memory_space<hbm>>) dst(%arg5 : memref<3x128xf32, #tpu.memory_space<vmem>>)
      tpu.yield
    }) : () -> ()
    "tpu.region"() ({
      %run_scoped3A = tpu.sem_alloc : memref<!tpu.dma_semaphore, #tpu.memory_space<semaphore_mem>>
      %dma_start3A = arith.constant 0 : i32
      %dma_start3A_52 = arith.constant 0 : i32
      %dma_start3A_53 = tpu.memref_slice %arg3[%add3A, %dma_start3A, %dma_start3A_52] : memref<2x3x2048xf32, #tpu.memory_space<hbm>> -> memref<1x3x2048xf32, #tpu.memory_space<hbm>>
      %dma_start3A_54 = tpu.memref_squeeze %dma_start3A_53 : memref<1x3x2048xf32, #tpu.memory_space<hbm>> -> memref<3x2048xf32, #tpu.memory_space<hbm>>
      %dma_start3A_55 = arith.constant 0 : i32
      %dma_start3A_56 = arith.constant 0 : i32
      %dma_start3A_57 = tpu.memref_slice %arg3[%add3A, %dma_start3A_55, %dma_start3A_56] : memref<2x3x2048xf32, #tpu.memory_space<hbm>> -> memref<1x3x2048xf32, #tpu.memory_space<hbm>>
      %dma_start3A_58 = tpu.memref_squeeze %dma_start3A_57 : memref<1x3x2048xf32, #tpu.memory_space<hbm>> -> memref<3x2048xf32, #tpu.memory_space<hbm>>
      tpu.enqueue_dma source(%dma_start3A_58 : memref<3x2048xf32, #tpu.memory_space<hbm>>) target(%arg6 : memref<3x2048xf32, #tpu.memory_space<vmem>>) target_semaphore(%run_scoped3A : memref<!tpu.dma_semaphore, #tpu.memory_space<semaphore_mem>>)
      %dma_wait3A = arith.constant 0 : i32
      %dma_wait3A_59 = arith.constant 0 : i32
      %dma_wait3A_60 = tpu.memref_slice %arg3[%add3A, %dma_wait3A, %dma_wait3A_59] : memref<2x3x2048xf32, #tpu.memory_space<hbm>> -> memref<1x3x2048xf32, #tpu.memory_space<hbm>>
      %dma_wait3A_61 = tpu.memref_squeeze %dma_wait3A_60 : memref<1x3x2048xf32, #tpu.memory_space<hbm>> -> memref<3x2048xf32, #tpu.memory_space<hbm>>
      %dma_wait3A_62 = arith.constant 0 : i32
      %dma_wait3A_63 = arith.constant 0 : i32
      %dma_wait3A_64 = tpu.memref_slice %arg3[%add3A, %dma_wait3A_62, %dma_wait3A_63] : memref<2x3x2048xf32, #tpu.memory_space<hbm>> -> memref<1x3x2048xf32, #tpu.memory_space<hbm>>
      %dma_wait3A_65 = tpu.memref_squeeze %dma_wait3A_64 : memref<1x3x2048xf32, #tpu.memory_space<hbm>> -> memref<3x2048xf32, #tpu.memory_space<hbm>>
      tpu.wait_dma2 semaphore(%run_scoped3A : memref<!tpu.dma_semaphore, #tpu.memory_space<semaphore_mem>>) src(%dma_wait3A_65 : memref<3x2048xf32, #tpu.memory_space<hbm>>) dst(%arg6 : memref<3x2048xf32, #tpu.memory_space<vmem>>)
      tpu.yield
    }) : () -> ()
    %scan3A = arith.constant 0 : i32
    %scan3A_33 = arith.constant 0 : i32
    %scan3A_34 = arith.constant 128 : i32
    %scan3A_35 = arith.addi %scan3A_33, %scan3A_34 : i32
    %scan3A_36 = arith.constant 1 : i32
    %scan3A_37 = scf.for %scan3A_52 = %scan3A_33 to %scan3A_35 step %scan3A_36 iter_args(%scan3A_53 = %scan3A) -> (i32)  : i32 {
      %broadcast_in_dim3A_54 = arith.constant 0x7F800000 : f32
      %broadcast_in_dim3A_55 = vector.broadcast %broadcast_in_dim3A_54 : f32 to vector<16xf32>
      %mul3A_56 = arith.constant 16 : i32
      %mul3A_57 = arith.muli %scan3A_52, %mul3A_56 : i32
      %swap3A_58 = arith.constant 0 : i32
      %swap3A_59 = arith.index_cast %swap3A_58 : i32 to index
      %swap3A_60 = arith.index_cast %mul3A_57 : i32 to index
      %swap3A_61 = tpu.vector_load %arg7[%swap3A_59, %swap3A_60] {strides = array<i32>} : memref<1x2064xf32, #tpu.memory_space<vmem>>, vector<16xf32>,
      tpu.vector_store %arg7[%swap3A_59, %swap3A_60], %broadcast_in_dim3A_55 {strides = array<i32>} : memref<1x2064xf32, #tpu.memory_space<vmem>>, vector<16xf32>,
      %scan3A_62 = arith.constant 0 : i32
      scf.yield %scan3A_62 : i32
    }
    %scan3A_38 = arith.constant 128 : i32
    %scan3A_39 = arith.constant 0.000000e+00 : f32
    %scan3A_40 = arith.constant 0 : i32
    %scan3A_41 = arith.constant 8 : i32
    %scan3A_42 = arith.addi %scan3A_40, %scan3A_41 : i32
    %scan3A_43 = arith.constant 1 : i32
    %scan3A_44 = scf.for %scan3A_52 = %scan3A_40 to %scan3A_42 step %scan3A_43 iter_args(%scan3A_53 = %scan3A_39) -> (f32)  : i32 {
      %mul3A_54 = arith.constant 16 : i32
      %mul3A_55 = arith.muli %scan3A_52, %mul3A_54 : i32
      %get3A = arith.constant 0 : i32
      %get3A_56 = arith.index_cast %get3A : i32 to index
      %get3A_57 = arith.index_cast %mul3A_55 : i32 to index
      %get3A_58 = tpu.vector_load %arg5[%get3A_56, %get3A_57] {strides = array<i32>} : memref<3x128xf32, #tpu.memory_space<vmem>>, vector<16xf32>,
      %mul3A_59 = arith.constant 16 : i32
      %mul3A_60 = arith.muli %scan3A_52, %mul3A_59 : i32
      %get3A_61 = arith.constant 1 : i32
      %get3A_62 = arith.index_cast %get3A_61 : i32 to index
      %get3A_63 = arith.index_cast %mul3A_60 : i32 to index
      %get3A_64 = tpu.vector_load %arg5[%get3A_62, %get3A_63] {strides = array<i32>} : memref<3x128xf32, #tpu.memory_space<vmem>>, vector<16xf32>,
      %mul3A_65 = arith.constant 16 : i32
      %mul3A_66 = arith.muli %scan3A_52, %mul3A_65 : i32
      %get3A_67 = arith.constant 2 : i32
      %get3A_68 = arith.index_cast %get3A_67 : i32 to index
      %get3A_69 = arith.index_cast %mul3A_66 : i32 to index
      %get3A_70 = tpu.vector_load %arg5[%get3A_68, %get3A_69] {strides = array<i32>} : memref<3x128xf32, #tpu.memory_space<vmem>>, vector<16xf32>,
      %slice3A = vector.extract_strided_slice %get3A_58 {offsets = [0], sizes = [1], strides = [1]} : vector<16xf32> to vector<1xf32>
      %squeeze3A = vector.extract %slice3A[0] : f32 from vector<1xf32>
      %slice3A_71 = vector.extract_strided_slice %get3A_58 {offsets = [1], sizes = [1], strides = [1]} : vector<16xf32> to vector<1xf32>
      %squeeze3A_72 = vector.extract %slice3A_71[0] : f32 from vector<1xf32>
      %slice3A_73 = vector.extract_strided_slice %get3A_58 {offsets = [2], sizes = [1], strides = [1]} : vector<16xf32> to vector<1xf32>
      %squeeze3A_74 = vector.extract %slice3A_73[0] : f32 from vector<1xf32>
      %slice3A_75 = vector.extract_strided_slice %get3A_58 {offsets = [3], sizes = [1], strides = [1]} : vector<16xf32> to vector<1xf32>
      %squeeze3A_76 = vector.extract %slice3A_75[0] : f32 from vector<1xf32>
      %slice3A_77 = vector.extract_strided_slice %get3A_58 {offsets = [4], sizes = [1], strides = [1]} : vector<16xf32> to vector<1xf32>
      %squeeze3A_78 = vector.extract %slice3A_77[0] : f32 from vector<1xf32>
      %slice3A_79 = vector.extract_strided_slice %get3A_58 {offsets = [5], sizes = [1], strides = [1]} : vector<16xf32> to vector<1xf32>
      %squeeze3A_80 = vector.extract %slice3A_79[0] : f32 from vector<1xf32>
      %slice3A_81 = vector.extract_strided_slice %get3A_58 {offsets = [6], sizes = [1], strides = [1]} : vector<16xf32> to vector<1xf32>
      %squeeze3A_82 = vector.extract %slice3A_81[0] : f32 from vector<1xf32>
      %slice3A_83 = vector.extract_strided_slice %get3A_58 {offsets = [7], sizes = [1], strides = [1]} : vector<16xf32> to vector<1xf32>
      %squeeze3A_84 = vector.extract %slice3A_83[0] : f32 from vector<1xf32>
      %slice3A_85 = vector.extract_strided_slice %get3A_64 {offsets = [0], sizes = [1], strides = [1]} : vector<16xf32> to vector<1xf32>
      %squeeze3A_86 = vector.extract %slice3A_85[0] : f32 from vector<1xf32>
      %slice3A_87 = vector.extract_strided_slice %get3A_64 {offsets = [1], sizes = [1], strides = [1]} : vector<16xf32> to vector<1xf32>
      %squeeze3A_88 = vector.extract %slice3A_87[0] : f32 from vector<1xf32>
      %slice3A_89 = vector.extract_strided_slice %get3A_64 {offsets = [2], sizes = [1], strides = [1]} : vector<16xf32> to vector<1xf32>
      %squeeze3A_90 = vector.extract %slice3A_89[0] : f32 from vector<1xf32>
      %slice3A_91 = vector.extract_strided_slice %get3A_64 {offsets = [3], sizes = [1], strides = [1]} : vector<16xf32> to vector<1xf32>
      %squeeze3A_92 = vector.extract %slice3A_91[0] : f32 from vector<1xf32>
      %slice3A_93 = vector.extract_strided_slice %get3A_64 {offsets = [4], sizes = [1], strides = [1]} : vector<16xf32> to vector<1xf32>
      %squeeze3A_94 = vector.extract %slice3A_93[0] : f32 from vector<1xf32>
      %slice3A_95 = vector.extract_strided_slice %get3A_64 {offsets = [5], sizes = [1], strides = [1]} : vector<16xf32> to vector<1xf32>
      %squeeze3A_96 = vector.extract %slice3A_95[0] : f32 from vector<1xf32>
      %slice3A_97 = vector.extract_strided_slice %get3A_64 {offsets = [6], sizes = [1], strides = [1]} : vector<16xf32> to vector<1xf32>
      %squeeze3A_98 = vector.extract %slice3A_97[0] : f32 from vector<1xf32>
      %slice3A_99 = vector.extract_strided_slice %get3A_64 {offsets = [7], sizes = [1], strides = [1]} : vector<16xf32> to vector<1xf32>
      %squeeze3A_100 = vector.extract %slice3A_99[0] : f32 from vector<1xf32>
      %slice3A_101 = vector.extract_strided_slice %get3A_70 {offsets = [0], sizes = [1], strides = [1]} : vector<16xf32> to vector<1xf32>
      %squeeze3A_102 = vector.extract %slice3A_101[0] : f32 from vector<1xf32>
      %slice3A_103 = vector.extract_strided_slice %get3A_70 {offsets = [1], sizes = [1], strides = [1]} : vector<16xf32> to vector<1xf32>
      %squeeze3A_104 = vector.extract %slice3A_103[0] : f32 from vector<1xf32>
      %slice3A_105 = vector.extract_strided_slice %get3A_70 {offsets = [2], sizes = [1], strides = [1]} : vector<16xf32> to vector<1xf32>
      %squeeze3A_106 = vector.extract %slice3A_105[0] : f32 from vector<1xf32>
      %slice3A_107 = vector.extract_strided_slice %get3A_70 {offsets = [3], sizes = [1], strides = [1]} : vector<16xf32> to vector<1xf32>
      %squeeze3A_108 = vector.extract %slice3A_107[0] : f32 from vector<1xf32>
      %slice3A_109 = vector.extract_strided_slice %get3A_70 {offsets = [4], sizes = [1], strides = [1]} : vector<16xf32> to vector<1xf32>
      %squeeze3A_110 = vector.extract %slice3A_109[0] : f32 from vector<1xf32>
      %slice3A_111 = vector.extract_strided_slice %get3A_70 {offsets = [5], sizes = [1], strides = [1]} : vector<16xf32> to vector<1xf32>
      %squeeze3A_112 = vector.extract %slice3A_111[0] : f32 from vector<1xf32>
      %slice3A_113 = vector.extract_strided_slice %get3A_70 {offsets = [6], sizes = [1], strides = [1]} : vector<16xf32> to vector<1xf32>
      %squeeze3A_114 = vector.extract %slice3A_113[0] : f32 from vector<1xf32>
      %slice3A_115 = vector.extract_strided_slice %get3A_70 {offsets = [7], sizes = [1], strides = [1]} : vector<16xf32> to vector<1xf32>
      %squeeze3A_116 = vector.extract %slice3A_115[0] : f32 from vector<1xf32>
      %broadcast_in_dim3A_117 = arith.constant 0x7F800000 : f32
      %broadcast_in_dim3A_118 = vector.broadcast %broadcast_in_dim3A_117 : f32 to vector<16xf32>
      %scan3A_119 = arith.constant 0 : i32
      %scan3A_120 = arith.constant 128 : i32
      %scan3A_121 = arith.addi %scan3A_119, %scan3A_120 : i32
      %scan3A_122 = arith.constant 1 : i32
      %scan3A_123:8 = scf.for %scan3A_260 = %scan3A_119 to %scan3A_121 step %scan3A_122 iter_args(%scan3A_261 = %broadcast_in_dim3A_118, %scan3A_262 = %broadcast_in_dim3A_118, %scan3A_263 = %broadcast_in_dim3A_118, %scan3A_264 = %broadcast_in_dim3A_118, %scan3A_265 = %broadcast_in_dim3A_118, %scan3A_266 = %broadcast_in_dim3A_118, %scan3A_267 = %broadcast_in_dim3A_118, %scan3A_268 = %broadcast_in_dim3A_118) -> (vector<16xf32>, vector<16xf32>, vector<16xf32>, vector<16xf32>, vector<16xf32>, vector<16xf32>, vector<16xf32>, vector<16xf32>)  : i32 {
        %mul3A_269 = arith.constant 16 : i32
        %mul3A_270 = arith.muli %scan3A_260, %mul3A_269 : i32
        %get3A_271 = arith.constant 0 : i32
        %get3A_272 = arith.index_cast %get3A_271 : i32 to index
        %get3A_273 = arith.index_cast %mul3A_270 : i32 to index
        %get3A_274 = tpu.vector_load %arg6[%get3A_272, %get3A_273] {strides = array<i32>} : memref<3x2048xf32, #tpu.memory_space<vmem>>, vector<16xf32>,
        %mul3A_275 = arith.constant 16 : i32
        %mul3A_276 = arith.muli %scan3A_260, %mul3A_275 : i32
        %get3A_277 = arith.constant 1 : i32
        %get3A_278 = arith.index_cast %get3A_277 : i32 to index
        %get3A_279 = arith.index_cast %mul3A_276 : i32 to index
        %get3A_280 = tpu.vector_load %arg6[%get3A_278, %get3A_279] {strides = array<i32>} : memref<3x2048xf32, #tpu.memory_space<vmem>>, vector<16xf32>,
        %mul3A_281 = arith.constant 16 : i32
        %mul3A_282 = arith.muli %scan3A_260, %mul3A_281 : i32
        %get3A_283 = arith.constant 2 : i32
        %get3A_284 = arith.index_cast %get3A_283 : i32 to index
        %get3A_285 = arith.index_cast %mul3A_282 : i32 to index
        %get3A_286 = tpu.vector_load %arg6[%get3A_284, %get3A_285] {strides = array<i32>} : memref<3x2048xf32, #tpu.memory_space<vmem>>, vector<16xf32>,
        %sub3A_287 = vector.broadcast %squeeze3A : f32 to vector<16xf32>
        %sub3A_288 = arith.subf %get3A_274, %sub3A_287 : vector<16xf32>
        %sub3A_289 = vector.broadcast %squeeze3A_86 : f32 to vector<16xf32>
        %sub3A_290 = arith.subf %get3A_280, %sub3A_289 : vector<16xf32>
        %sub3A_291 = vector.broadcast %squeeze3A_102 : f32 to vector<16xf32>
        %sub3A_292 = arith.subf %get3A_286, %sub3A_291 : vector<16xf32>
        %mul3A_293 = arith.mulf %sub3A_288, %sub3A_288 : vector<16xf32>
        %mul3A_294 = arith.mulf %sub3A_290, %sub3A_290 : vector<16xf32>
        %add3A_295 = arith.addf %mul3A_293, %mul3A_294 : vector<16xf32>
        %mul3A_296 = arith.mulf %sub3A_292, %sub3A_292 : vector<16xf32>
        %add3A_297 = arith.addf %add3A_295, %mul3A_296 : vector<16xf32>
        %min3A = arith.minimumf %scan3A_261, %add3A_297 : vector<16xf32>
        %sub3A_298 = vector.broadcast %squeeze3A_72 : f32 to vector<16xf32>
        %sub3A_299 = arith.subf %get3A_274, %sub3A_298 : vector<16xf32>
        %sub3A_300 = vector.broadcast %squeeze3A_88 : f32 to vector<16xf32>
        %sub3A_301 = arith.subf %get3A_280, %sub3A_300 : vector<16xf32>
        %sub3A_302 = vector.broadcast %squeeze3A_104 : f32 to vector<16xf32>
        %sub3A_303 = arith.subf %get3A_286, %sub3A_302 : vector<16xf32>
        %mul3A_304 = arith.mulf %sub3A_299, %sub3A_299 : vector<16xf32>
        %mul3A_305 = arith.mulf %sub3A_301, %sub3A_301 : vector<16xf32>
        %add3A_306 = arith.addf %mul3A_304, %mul3A_305 : vector<16xf32>
        %mul3A_307 = arith.mulf %sub3A_303, %sub3A_303 : vector<16xf32>
        %add3A_308 = arith.addf %add3A_306, %mul3A_307 : vector<16xf32>
        %min3A_309 = arith.minimumf %scan3A_262, %add3A_308 : vector<16xf32>
        %sub3A_310 = vector.broadcast %squeeze3A_74 : f32 to vector<16xf32>
        %sub3A_311 = arith.subf %get3A_274, %sub3A_310 : vector<16xf32>
        %sub3A_312 = vector.broadcast %squeeze3A_90 : f32 to vector<16xf32>
        %sub3A_313 = arith.subf %get3A_280, %sub3A_312 : vector<16xf32>
        %sub3A_314 = vector.broadcast %squeeze3A_106 : f32 to vector<16xf32>
        %sub3A_315 = arith.subf %get3A_286, %sub3A_314 : vector<16xf32>
        %mul3A_316 = arith.mulf %sub3A_311, %sub3A_311 : vector<16xf32>
        %mul3A_317 = arith.mulf %sub3A_313, %sub3A_313 : vector<16xf32>
        %add3A_318 = arith.addf %mul3A_316, %mul3A_317 : vector<16xf32>
        %mul3A_319 = arith.mulf %sub3A_315, %sub3A_315 : vector<16xf32>
        %add3A_320 = arith.addf %add3A_318, %mul3A_319 : vector<16xf32>
        %min3A_321 = arith.minimumf %scan3A_263, %add3A_320 : vector<16xf32>
        %sub3A_322 = vector.broadcast %squeeze3A_76 : f32 to vector<16xf32>
        %sub3A_323 = arith.subf %get3A_274, %sub3A_322 : vector<16xf32>
        %sub3A_324 = vector.broadcast %squeeze3A_92 : f32 to vector<16xf32>
        %sub3A_325 = arith.subf %get3A_280, %sub3A_324 : vector<16xf32>
        %sub3A_326 = vector.broadcast %squeeze3A_108 : f32 to vector<16xf32>
        %sub3A_327 = arith.subf %get3A_286, %sub3A_326 : vector<16xf32>
        %mul3A_328 = arith.mulf %sub3A_323, %sub3A_323 : vector<16xf32>
        %mul3A_329 = arith.mulf %sub3A_325, %sub3A_325 : vector<16xf32>
        %add3A_330 = arith.addf %mul3A_328, %mul3A_329 : vector<16xf32>
        %mul3A_331 = arith.mulf %sub3A_327, %sub3A_327 : vector<16xf32>
        %add3A_332 = arith.addf %add3A_330, %mul3A_331 : vector<16xf32>
        %min3A_333 = arith.minimumf %scan3A_264, %add3A_332 : vector<16xf32>
        %sub3A_334 = vector.broadcast %squeeze3A_78 : f32 to vector<16xf32>
        %sub3A_335 = arith.subf %get3A_274, %sub3A_334 : vector<16xf32>
        %sub3A_336 = vector.broadcast %squeeze3A_94 : f32 to vector<16xf32>
        %sub3A_337 = arith.subf %get3A_280, %sub3A_336 : vector<16xf32>
        %sub3A_338 = vector.broadcast %squeeze3A_110 : f32 to vector<16xf32>
        %sub3A_339 = arith.subf %get3A_286, %sub3A_338 : vector<16xf32>
        %mul3A_340 = arith.mulf %sub3A_335, %sub3A_335 : vector<16xf32>
        %mul3A_341 = arith.mulf %sub3A_337, %sub3A_337 : vector<16xf32>
        %add3A_342 = arith.addf %mul3A_340, %mul3A_341 : vector<16xf32>
        %mul3A_343 = arith.mulf %sub3A_339, %sub3A_339 : vector<16xf32>
        %add3A_344 = arith.addf %add3A_342, %mul3A_343 : vector<16xf32>
        %min3A_345 = arith.minimumf %scan3A_265, %add3A_344 : vector<16xf32>
        %sub3A_346 = vector.broadcast %squeeze3A_80 : f32 to vector<16xf32>
        %sub3A_347 = arith.subf %get3A_274, %sub3A_346 : vector<16xf32>
        %sub3A_348 = vector.broadcast %squeeze3A_96 : f32 to vector<16xf32>
        %sub3A_349 = arith.subf %get3A_280, %sub3A_348 : vector<16xf32>
        %sub3A_350 = vector.broadcast %squeeze3A_112 : f32 to vector<16xf32>
        %sub3A_351 = arith.subf %get3A_286, %sub3A_350 : vector<16xf32>
        %mul3A_352 = arith.mulf %sub3A_347, %sub3A_347 : vector<16xf32>
        %mul3A_353 = arith.mulf %sub3A_349, %sub3A_349 : vector<16xf32>
        %add3A_354 = arith.addf %mul3A_352, %mul3A_353 : vector<16xf32>
        %mul3A_355 = arith.mulf %sub3A_351, %sub3A_351 : vector<16xf32>
        %add3A_356 = arith.addf %add3A_354, %mul3A_355 : vector<16xf32>
        %min3A_357 = arith.minimumf %scan3A_266, %add3A_356 : vector<16xf32>
        %sub3A_358 = vector.broadcast %squeeze3A_82 : f32 to vector<16xf32>
        %sub3A_359 = arith.subf %get3A_274, %sub3A_358 : vector<16xf32>
        %sub3A_360 = vector.broadcast %squeeze3A_98 : f32 to vector<16xf32>
        %sub3A_361 = arith.subf %get3A_280, %sub3A_360 : vector<16xf32>
        %sub3A_362 = vector.broadcast %squeeze3A_114 : f32 to vector<16xf32>
        %sub3A_363 = arith.subf %get3A_286, %sub3A_362 : vector<16xf32>
        %mul3A_364 = arith.mulf %sub3A_359, %sub3A_359 : vector<16xf32>
        %mul3A_365 = arith.mulf %sub3A_361, %sub3A_361 : vector<16xf32>
        %add3A_366 = arith.addf %mul3A_364, %mul3A_365 : vector<16xf32>
        %mul3A_367 = arith.mulf %sub3A_363, %sub3A_363 : vector<16xf32>
        %add3A_368 = arith.addf %add3A_366, %mul3A_367 : vector<16xf32>
        %min3A_369 = arith.minimumf %scan3A_267, %add3A_368 : vector<16xf32>
        %sub3A_370 = vector.broadcast %squeeze3A_84 : f32 to vector<16xf32>
        %sub3A_371 = arith.subf %get3A_274, %sub3A_370 : vector<16xf32>
        %sub3A_372 = vector.broadcast %squeeze3A_100 : f32 to vector<16xf32>
        %sub3A_373 = arith.subf %get3A_280, %sub3A_372 : vector<16xf32>
        %sub3A_374 = vector.broadcast %squeeze3A_116 : f32 to vector<16xf32>
        %sub3A_375 = arith.subf %get3A_286, %sub3A_374 : vector<16xf32>
        %mul3A_376 = arith.mulf %sub3A_371, %sub3A_371 : vector<16xf32>
        %mul3A_377 = arith.mulf %sub3A_373, %sub3A_373 : vector<16xf32>
        %add3A_378 = arith.addf %mul3A_376, %mul3A_377 : vector<16xf32>
        %mul3A_379 = arith.mulf %sub3A_375, %sub3A_375 : vector<16xf32>
        %add3A_380 = arith.addf %add3A_378, %mul3A_379 : vector<16xf32>
        %min3A_381 = arith.minimumf %scan3A_268, %add3A_380 : vector<16xf32>
        %min3A_382 = arith.minimumf %add3A_297, %add3A_308 : vector<16xf32>
        %min3A_383 = arith.minimumf %add3A_320, %add3A_332 : vector<16xf32>
        %min3A_384 = arith.minimumf %add3A_344, %add3A_356 : vector<16xf32>
        %min3A_385 = arith.minimumf %add3A_368, %add3A_380 : vector<16xf32>
        %min3A_386 = arith.minimumf %min3A_382, %min3A_383 : vector<16xf32>
        %min3A_387 = arith.minimumf %min3A_384, %min3A_385 : vector<16xf32>
        %min3A_388 = arith.minimumf %min3A_386, %min3A_387 : vector<16xf32>
        %mul3A_389 = arith.constant 16 : i32
        %mul3A_390 = arith.muli %scan3A_260, %mul3A_389 : i32
        %get3A_391 = arith.constant 0 : i32
        %get3A_392 = arith.index_cast %get3A_391 : i32 to index
        %get3A_393 = arith.index_cast %mul3A_390 : i32 to index
        %get3A_394 = tpu.vector_load %arg7[%get3A_392, %get3A_393] {strides = array<i32>} : memref<1x2064xf32, #tpu.memory_space<vmem>>, vector<16xf32>,
        %min3A_395 = arith.minimumf %get3A_394, %min3A_388 : vector<16xf32>
        %mul3A_396 = arith.constant 16 : i32
        %mul3A_397 = arith.muli %scan3A_260, %mul3A_396 : i32
        %swap3A_398 = arith.constant 0 : i32
        %swap3A_399 = arith.index_cast %swap3A_398 : i32 to index
        %swap3A_400 = arith.index_cast %mul3A_397 : i32 to index
        %swap3A_401 = tpu.vector_load %arg7[%swap3A_399, %swap3A_400] {strides = array<i32>} : memref<1x2064xf32, #tpu.memory_space<vmem>>, vector<16xf32>,
        tpu.vector_store %arg7[%swap3A_399, %swap3A_400], %min3A_395 {strides = array<i32>} : memref<1x2064xf32, #tpu.memory_space<vmem>>, vector<16xf32>,
        scf.yield %min3A, %min3A_309, %min3A_321, %min3A_333, %min3A_345, %min3A_357, %min3A_369, %min3A_381 : vector<16xf32>, vector<16xf32>, vector<16xf32>, vector<16xf32>, vector<16xf32>, vector<16xf32>, vector<16xf32>, vector<16xf32>
      }
      %scan3A_124 = arith.constant 128 : i32
      %reduce_min3A = arith.constant true
      %reduce_min3A_125 = vector.broadcast %reduce_min3A : i1 to vector<16xi1>
      %reduce_min3A_126 = tpu.scan <min>, %scan3A_123#0 masked %reduce_min3A_125 : vector<16xf32>, vector<16xi1> -> vector<16xf32>
      %reduce_min3A_127 = vector.extract %reduce_min3A_126[15] : f32 from vector<16xf32>
      %add3A_128 = arith.addf %scan3A_53, %reduce_min3A_127 : f32
      %reduce_min3A_129 = arith.constant true
      %reduce_min3A_130 = vector.broadcast %reduce_min3A_129 : i1 to vector<16xi1>
      %reduce_min3A_131 = tpu.scan <min>, %scan3A_123#1 masked %reduce_min3A_130 : vector<16xf32>, vector<16xi1> -> vector<16xf32>
      %reduce_min3A_132 = vector.extract %reduce_min3A_131[15] : f32 from vector<16xf32>
      %add3A_133 = arith.addf %add3A_128, %reduce_min3A_132 : f32
      %reduce_min3A_134 = arith.constant true
      %reduce_min3A_135 = vector.broadcast %reduce_min3A_134 : i1 to vector<16xi1>
      %reduce_min3A_136 = tpu.scan <min>, %scan3A_123#2 masked %reduce_min3A_135 : vector<16xf32>, vector<16xi1> -> vector<16xf32>
      %reduce_min3A_137 = vector.extract %reduce_min3A_136[15] : f32 from vector<16xf32>
      %add3A_138 = arith.addf %add3A_133, %reduce_min3A_137 : f32
      %reduce_min3A_139 = arith.constant true
      %reduce_min3A_140 = vector.broadcast %reduce_min3A_139 : i1 to vector<16xi1>
      %reduce_min3A_141 = tpu.scan <min>, %scan3A_123#3 masked %reduce_min3A_140 : vector<16xf32>, vector<16xi1> -> vector<16xf32>
      %reduce_min3A_142 = vector.extract %reduce_min3A_141[15] : f32 from vector<16xf32>
      %add3A_143 = arith.addf %add3A_138, %reduce_min3A_142 : f32
      %reduce_min3A_144 = arith.constant true
      %reduce_min3A_145 = vector.broadcast %reduce_min3A_144 : i1 to vector<16xi1>
      %reduce_min3A_146 = tpu.scan <min>, %scan3A_123#4 masked %reduce_min3A_145 : vector<16xf32>, vector<16xi1> -> vector<16xf32>
      %reduce_min3A_147 = vector.extract %reduce_min3A_146[15] : f32 from vector<16xf32>
      %add3A_148 = arith.addf %add3A_143, %reduce_min3A_147 : f32
      %reduce_min3A_149 = arith.constant true
      %reduce_min3A_150 = vector.broadcast %reduce_min3A_149 : i1 to vector<16xi1>
      %reduce_min3A_151 = tpu.scan <min>, %scan3A_123#5 masked %reduce_min3A_150 : vector<16xf32>, vector<16xi1> -> vector<16xf32>
      %reduce_min3A_152 = vector.extract %reduce_min3A_151[15] : f32 from vector<16xf32>
      %add3A_153 = arith.addf %add3A_148, %reduce_min3A_152 : f32
      %reduce_min3A_154 = arith.constant true
      %reduce_min3A_155 = vector.broadcast %reduce_min3A_154 : i1 to vector<16xi1>
      %reduce_min3A_156 = tpu.scan <min>, %scan3A_123#6 masked %reduce_min3A_155 : vector<16xf32>, vector<16xi1> -> vector<16xf32>
      %reduce_min3A_157 = vector.extract %reduce_min3A_156[15] : f32 from vector<16xf32>
      %add3A_158 = arith.addf %add3A_153, %reduce_min3A_157 : f32
      %reduce_min3A_159 = arith.constant true
      %reduce_min3A_160 = vector.broadcast %reduce_min3A_159 : i1 to vector<16xi1>
      %reduce_min3A_161 = tpu.scan <min>, %scan3A_123#7 masked %reduce_min3A_160 : vector<16xf32>, vector<16xi1> -> vector<16xf32>
      %reduce_min3A_162 = vector.extract %reduce_min3A_161[15] : f32 from vector<16xf32>
      %add3A_163 = arith.addf %add3A_158, %reduce_min3A_162 : f32
      %slice3A_164 = vector.extract_strided_slice %get3A_58 {offsets = [8], sizes = [1], strides = [1]} : vector<16xf32> to vector<1xf32>
      %squeeze3A_165 = vector.extract %slice3A_164[0] : f32 from vector<1xf32>
      %slice3A_166 = vector.extract_strided_slice %get3A_58 {offsets = [9], sizes = [1], strides = [1]} : vector<16xf32> to vector<1xf32>
      %squeeze3A_167 = vector.extract %slice3A_166[0] : f32 from vector<1xf32>
      %slice3A_168 = vector.extract_strided_slice %get3A_58 {offsets = [10], sizes = [1], strides = [1]} : vector<16xf32> to vector<1xf32>
      %squeeze3A_169 = vector.extract %slice3A_168[0] : f32 from vector<1xf32>
      %slice3A_170 = vector.extract_strided_slice %get3A_58 {offsets = [11], sizes = [1], strides = [1]} : vector<16xf32> to vector<1xf32>
      %squeeze3A_171 = vector.extract %slice3A_170[0] : f32 from vector<1xf32>
      %slice3A_172 = vector.extract_strided_slice %get3A_58 {offsets = [12], sizes = [1], strides = [1]} : vector<16xf32> to vector<1xf32>
      %squeeze3A_173 = vector.extract %slice3A_172[0] : f32 from vector<1xf32>
      %slice3A_174 = vector.extract_strided_slice %get3A_58 {offsets = [13], sizes = [1], strides = [1]} : vector<16xf32> to vector<1xf32>
      %squeeze3A_175 = vector.extract %slice3A_174[0] : f32 from vector<1xf32>
      %slice3A_176 = vector.extract_strided_slice %get3A_58 {offsets = [14], sizes = [1], strides = [1]} : vector<16xf32> to vector<1xf32>
      %squeeze3A_177 = vector.extract %slice3A_176[0] : f32 from vector<1xf32>
      %slice3A_178 = vector.extract_strided_slice %get3A_58 {offsets = [15], sizes = [1], strides = [1]} : vector<16xf32> to vector<1xf32>
      %squeeze3A_179 = vector.extract %slice3A_178[0] : f32 from vector<1xf32>
      %slice3A_180 = vector.extract_strided_slice %get3A_64 {offsets = [8], sizes = [1], strides = [1]} : vector<16xf32> to vector<1xf32>
      %squeeze3A_181 = vector.extract %slice3A_180[0] : f32 from vector<1xf32>
      %slice3A_182 = vector.extract_strided_slice %get3A_64 {offsets = [9], sizes = [1], strides = [1]} : vector<16xf32> to vector<1xf32>
      %squeeze3A_183 = vector.extract %slice3A_182[0] : f32 from vector<1xf32>
      %slice3A_184 = vector.extract_strided_slice %get3A_64 {offsets = [10], sizes = [1], strides = [1]} : vector<16xf32> to vector<1xf32>
      %squeeze3A_185 = vector.extract %slice3A_184[0] : f32 from vector<1xf32>
      %slice3A_186 = vector.extract_strided_slice %get3A_64 {offsets = [11], sizes = [1], strides = [1]} : vector<16xf32> to vector<1xf32>
      %squeeze3A_187 = vector.extract %slice3A_186[0] : f32 from vector<1xf32>
      %slice3A_188 = vector.extract_strided_slice %get3A_64 {offsets = [12], sizes = [1], strides = [1]} : vector<16xf32> to vector<1xf32>
      %squeeze3A_189 = vector.extract %slice3A_188[0] : f32 from vector<1xf32>
      %slice3A_190 = vector.extract_strided_slice %get3A_64 {offsets = [13], sizes = [1], strides = [1]} : vector<16xf32> to vector<1xf32>
      %squeeze3A_191 = vector.extract %slice3A_190[0] : f32 from vector<1xf32>
      %slice3A_192 = vector.extract_strided_slice %get3A_64 {offsets = [14], sizes = [1], strides = [1]} : vector<16xf32> to vector<1xf32>
      %squeeze3A_193 = vector.extract %slice3A_192[0] : f32 from vector<1xf32>
      %slice3A_194 = vector.extract_strided_slice %get3A_64 {offsets = [15], sizes = [1], strides = [1]} : vector<16xf32> to vector<1xf32>
      %squeeze3A_195 = vector.extract %slice3A_194[0] : f32 from vector<1xf32>
      %slice3A_196 = vector.extract_strided_slice %get3A_70 {offsets = [8], sizes = [1], strides = [1]} : vector<16xf32> to vector<1xf32>
      %squeeze3A_197 = vector.extract %slice3A_196[0] : f32 from vector<1xf32>
      %slice3A_198 = vector.extract_strided_slice %get3A_70 {offsets = [9], sizes = [1], strides = [1]} : vector<16xf32> to vector<1xf32>
      %squeeze3A_199 = vector.extract %slice3A_198[0] : f32 from vector<1xf32>
      %slice3A_200 = vector.extract_strided_slice %get3A_70 {offsets = [10], sizes = [1], strides = [1]} : vector<16xf32> to vector<1xf32>
      %squeeze3A_201 = vector.extract %slice3A_200[0] : f32 from vector<1xf32>
      %slice3A_202 = vector.extract_strided_slice %get3A_70 {offsets = [11], sizes = [1], strides = [1]} : vector<16xf32> to vector<1xf32>
      %squeeze3A_203 = vector.extract %slice3A_202[0] : f32 from vector<1xf32>
      %slice3A_204 = vector.extract_strided_slice %get3A_70 {offsets = [12], sizes = [1], strides = [1]} : vector<16xf32> to vector<1xf32>
      %squeeze3A_205 = vector.extract %slice3A_204[0] : f32 from vector<1xf32>
      %slice3A_206 = vector.extract_strided_slice %get3A_70 {offsets = [13], sizes = [1], strides = [1]} : vector<16xf32> to vector<1xf32>
      %squeeze3A_207 = vector.extract %slice3A_206[0] : f32 from vector<1xf32>
      %slice3A_208 = vector.extract_strided_slice %get3A_70 {offsets = [14], sizes = [1], strides = [1]} : vector<16xf32> to vector<1xf32>
      %squeeze3A_209 = vector.extract %slice3A_208[0] : f32 from vector<1xf32>
      %slice3A_210 = vector.extract_strided_slice %get3A_70 {offsets = [15], sizes = [1], strides = [1]} : vector<16xf32> to vector<1xf32>
      %squeeze3A_211 = vector.extract %slice3A_210[0] : f32 from vector<1xf32>
      %broadcast_in_dim3A_212 = arith.constant 0x7F800000 : f32
      %broadcast_in_dim3A_213 = vector.broadcast %broadcast_in_dim3A_212 : f32 to vector<16xf32>
      %scan3A_214 = arith.constant 0 : i32
      %scan3A_215 = arith.constant 128 : i32
      %scan3A_216 = arith.addi %scan3A_214, %scan3A_215 : i32
      %scan3A_217 = arith.constant 1 : i32
      %scan3A_218:8 = scf.for %scan3A_260 = %scan3A_214 to %scan3A_216 step %scan3A_217 iter_args(%scan3A_261 = %broadcast_in_dim3A_213, %scan3A_262 = %broadcast_in_dim3A_213, %scan3A_263 = %broadcast_in_dim3A_213, %scan3A_264 = %broadcast_in_dim3A_213, %scan3A_265 = %broadcast_in_dim3A_213, %scan3A_266 = %broadcast_in_dim3A_213, %scan3A_267 = %broadcast_in_dim3A_213, %scan3A_268 = %broadcast_in_dim3A_213) -> (vector<16xf32>, vector<16xf32>, vector<16xf32>, vector<16xf32>, vector<16xf32>, vector<16xf32>, vector<16xf32>, vector<16xf32>)  : i32 {
        %mul3A_269 = arith.constant 16 : i32
        %mul3A_270 = arith.muli %scan3A_260, %mul3A_269 : i32
        %get3A_271 = arith.constant 0 : i32
        %get3A_272 = arith.index_cast %get3A_271 : i32 to index
        %get3A_273 = arith.index_cast %mul3A_270 : i32 to index
        %get3A_274 = tpu.vector_load %arg6[%get3A_272, %get3A_273] {strides = array<i32>} : memref<3x2048xf32, #tpu.memory_space<vmem>>, vector<16xf32>,
        %mul3A_275 = arith.constant 16 : i32
        %mul3A_276 = arith.muli %scan3A_260, %mul3A_275 : i32
        %get3A_277 = arith.constant 1 : i32
        %get3A_278 = arith.index_cast %get3A_277 : i32 to index
        %get3A_279 = arith.index_cast %mul3A_276 : i32 to index
        %get3A_280 = tpu.vector_load %arg6[%get3A_278, %get3A_279] {strides = array<i32>} : memref<3x2048xf32, #tpu.memory_space<vmem>>, vector<16xf32>,
        %mul3A_281 = arith.constant 16 : i32
        %mul3A_282 = arith.muli %scan3A_260, %mul3A_281 : i32
        %get3A_283 = arith.constant 2 : i32
        %get3A_284 = arith.index_cast %get3A_283 : i32 to index
        %get3A_285 = arith.index_cast %mul3A_282 : i32 to index
        %get3A_286 = tpu.vector_load %arg6[%get3A_284, %get3A_285] {strides = array<i32>} : memref<3x2048xf32, #tpu.memory_space<vmem>>, vector<16xf32>,
        %sub3A_287 = vector.broadcast %squeeze3A_165 : f32 to vector<16xf32>
        %sub3A_288 = arith.subf %get3A_274, %sub3A_287 : vector<16xf32>
        %sub3A_289 = vector.broadcast %squeeze3A_181 : f32 to vector<16xf32>
        %sub3A_290 = arith.subf %get3A_280, %sub3A_289 : vector<16xf32>
        %sub3A_291 = vector.broadcast %squeeze3A_197 : f32 to vector<16xf32>
        %sub3A_292 = arith.subf %get3A_286, %sub3A_291 : vector<16xf32>
        %mul3A_293 = arith.mulf %sub3A_288, %sub3A_288 : vector<16xf32>
        %mul3A_294 = arith.mulf %sub3A_290, %sub3A_290 : vector<16xf32>
        %add3A_295 = arith.addf %mul3A_293, %mul3A_294 : vector<16xf32>
        %mul3A_296 = arith.mulf %sub3A_292, %sub3A_292 : vector<16xf32>
        %add3A_297 = arith.addf %add3A_295, %mul3A_296 : vector<16xf32>
        %min3A = arith.minimumf %scan3A_261, %add3A_297 : vector<16xf32>
        %sub3A_298 = vector.broadcast %squeeze3A_167 : f32 to vector<16xf32>
        %sub3A_299 = arith.subf %get3A_274, %sub3A_298 : vector<16xf32>
        %sub3A_300 = vector.broadcast %squeeze3A_183 : f32 to vector<16xf32>
        %sub3A_301 = arith.subf %get3A_280, %sub3A_300 : vector<16xf32>
        %sub3A_302 = vector.broadcast %squeeze3A_199 : f32 to vector<16xf32>
        %sub3A_303 = arith.subf %get3A_286, %sub3A_302 : vector<16xf32>
        %mul3A_304 = arith.mulf %sub3A_299, %sub3A_299 : vector<16xf32>
        %mul3A_305 = arith.mulf %sub3A_301, %sub3A_301 : vector<16xf32>
        %add3A_306 = arith.addf %mul3A_304, %mul3A_305 : vector<16xf32>
        %mul3A_307 = arith.mulf %sub3A_303, %sub3A_303 : vector<16xf32>
        %add3A_308 = arith.addf %add3A_306, %mul3A_307 : vector<16xf32>
        %min3A_309 = arith.minimumf %scan3A_262, %add3A_308 : vector<16xf32>
        %sub3A_310 = vector.broadcast %squeeze3A_169 : f32 to vector<16xf32>
        %sub3A_311 = arith.subf %get3A_274, %sub3A_310 : vector<16xf32>
        %sub3A_312 = vector.broadcast %squeeze3A_185 : f32 to vector<16xf32>
        %sub3A_313 = arith.subf %get3A_280, %sub3A_312 : vector<16xf32>
        %sub3A_314 = vector.broadcast %squeeze3A_201 : f32 to vector<16xf32>
        %sub3A_315 = arith.subf %get3A_286, %sub3A_314 : vector<16xf32>
        %mul3A_316 = arith.mulf %sub3A_311, %sub3A_311 : vector<16xf32>
        %mul3A_317 = arith.mulf %sub3A_313, %sub3A_313 : vector<16xf32>
        %add3A_318 = arith.addf %mul3A_316, %mul3A_317 : vector<16xf32>
        %mul3A_319 = arith.mulf %sub3A_315, %sub3A_315 : vector<16xf32>
        %add3A_320 = arith.addf %add3A_318, %mul3A_319 : vector<16xf32>
        %min3A_321 = arith.minimumf %scan3A_263, %add3A_320 : vector<16xf32>
        %sub3A_322 = vector.broadcast %squeeze3A_171 : f32 to vector<16xf32>
        %sub3A_323 = arith.subf %get3A_274, %sub3A_322 : vector<16xf32>
        %sub3A_324 = vector.broadcast %squeeze3A_187 : f32 to vector<16xf32>
        %sub3A_325 = arith.subf %get3A_280, %sub3A_324 : vector<16xf32>
        %sub3A_326 = vector.broadcast %squeeze3A_203 : f32 to vector<16xf32>
        %sub3A_327 = arith.subf %get3A_286, %sub3A_326 : vector<16xf32>
        %mul3A_328 = arith.mulf %sub3A_323, %sub3A_323 : vector<16xf32>
        %mul3A_329 = arith.mulf %sub3A_325, %sub3A_325 : vector<16xf32>
        %add3A_330 = arith.addf %mul3A_328, %mul3A_329 : vector<16xf32>
        %mul3A_331 = arith.mulf %sub3A_327, %sub3A_327 : vector<16xf32>
        %add3A_332 = arith.addf %add3A_330, %mul3A_331 : vector<16xf32>
        %min3A_333 = arith.minimumf %scan3A_264, %add3A_332 : vector<16xf32>
        %sub3A_334 = vector.broadcast %squeeze3A_173 : f32 to vector<16xf32>
        %sub3A_335 = arith.subf %get3A_274, %sub3A_334 : vector<16xf32>
        %sub3A_336 = vector.broadcast %squeeze3A_189 : f32 to vector<16xf32>
        %sub3A_337 = arith.subf %get3A_280, %sub3A_336 : vector<16xf32>
        %sub3A_338 = vector.broadcast %squeeze3A_205 : f32 to vector<16xf32>
        %sub3A_339 = arith.subf %get3A_286, %sub3A_338 : vector<16xf32>
        %mul3A_340 = arith.mulf %sub3A_335, %sub3A_335 : vector<16xf32>
        %mul3A_341 = arith.mulf %sub3A_337, %sub3A_337 : vector<16xf32>
        %add3A_342 = arith.addf %mul3A_340, %mul3A_341 : vector<16xf32>
        %mul3A_343 = arith.mulf %sub3A_339, %sub3A_339 : vector<16xf32>
        %add3A_344 = arith.addf %add3A_342, %mul3A_343 : vector<16xf32>
        %min3A_345 = arith.minimumf %scan3A_265, %add3A_344 : vector<16xf32>
        %sub3A_346 = vector.broadcast %squeeze3A_175 : f32 to vector<16xf32>
        %sub3A_347 = arith.subf %get3A_274, %sub3A_346 : vector<16xf32>
        %sub3A_348 = vector.broadcast %squeeze3A_191 : f32 to vector<16xf32>
        %sub3A_349 = arith.subf %get3A_280, %sub3A_348 : vector<16xf32>
        %sub3A_350 = vector.broadcast %squeeze3A_207 : f32 to vector<16xf32>
        %sub3A_351 = arith.subf %get3A_286, %sub3A_350 : vector<16xf32>
        %mul3A_352 = arith.mulf %sub3A_347, %sub3A_347 : vector<16xf32>
        %mul3A_353 = arith.mulf %sub3A_349, %sub3A_349 : vector<16xf32>
        %add3A_354 = arith.addf %mul3A_352, %mul3A_353 : vector<16xf32>
        %mul3A_355 = arith.mulf %sub3A_351, %sub3A_351 : vector<16xf32>
        %add3A_356 = arith.addf %add3A_354, %mul3A_355 : vector<16xf32>
        %min3A_357 = arith.minimumf %scan3A_266, %add3A_356 : vector<16xf32>
        %sub3A_358 = vector.broadcast %squeeze3A_177 : f32 to vector<16xf32>
        %sub3A_359 = arith.subf %get3A_274, %sub3A_358 : vector<16xf32>
        %sub3A_360 = vector.broadcast %squeeze3A_193 : f32 to vector<16xf32>
        %sub3A_361 = arith.subf %get3A_280, %sub3A_360 : vector<16xf32>
        %sub3A_362 = vector.broadcast %squeeze3A_209 : f32 to vector<16xf32>
        %sub3A_363 = arith.subf %get3A_286, %sub3A_362 : vector<16xf32>
        %mul3A_364 = arith.mulf %sub3A_359, %sub3A_359 : vector<16xf32>
        %mul3A_365 = arith.mulf %sub3A_361, %sub3A_361 : vector<16xf32>
        %add3A_366 = arith.addf %mul3A_364, %mul3A_365 : vector<16xf32>
        %mul3A_367 = arith.mulf %sub3A_363, %sub3A_363 : vector<16xf32>
        %add3A_368 = arith.addf %add3A_366, %mul3A_367 : vector<16xf32>
        %min3A_369 = arith.minimumf %scan3A_267, %add3A_368 : vector<16xf32>
        %sub3A_370 = vector.broadcast %squeeze3A_179 : f32 to vector<16xf32>
        %sub3A_371 = arith.subf %get3A_274, %sub3A_370 : vector<16xf32>
        %sub3A_372 = vector.broadcast %squeeze3A_195 : f32 to vector<16xf32>
        %sub3A_373 = arith.subf %get3A_280, %sub3A_372 : vector<16xf32>
        %sub3A_374 = vector.broadcast %squeeze3A_211 : f32 to vector<16xf32>
        %sub3A_375 = arith.subf %get3A_286, %sub3A_374 : vector<16xf32>
        %mul3A_376 = arith.mulf %sub3A_371, %sub3A_371 : vector<16xf32>
        %mul3A_377 = arith.mulf %sub3A_373, %sub3A_373 : vector<16xf32>
        %add3A_378 = arith.addf %mul3A_376, %mul3A_377 : vector<16xf32>
        %mul3A_379 = arith.mulf %sub3A_375, %sub3A_375 : vector<16xf32>
        %add3A_380 = arith.addf %add3A_378, %mul3A_379 : vector<16xf32>
        %min3A_381 = arith.minimumf %scan3A_268, %add3A_380 : vector<16xf32>
        %min3A_382 = arith.minimumf %add3A_297, %add3A_308 : vector<16xf32>
        %min3A_383 = arith.minimumf %add3A_320, %add3A_332 : vector<16xf32>
        %min3A_384 = arith.minimumf %add3A_344, %add3A_356 : vector<16xf32>
        %min3A_385 = arith.minimumf %add3A_368, %add3A_380 : vector<16xf32>
        %min3A_386 = arith.minimumf %min3A_382, %min3A_383 : vector<16xf32>
        %min3A_387 = arith.minimumf %min3A_384, %min3A_385 : vector<16xf32>
        %min3A_388 = arith.minimumf %min3A_386, %min3A_387 : vector<16xf32>
        %mul3A_389 = arith.constant 16 : i32
        %mul3A_390 = arith.muli %scan3A_260, %mul3A_389 : i32
        %get3A_391 = arith.constant 0 : i32
        %get3A_392 = arith.index_cast %get3A_391 : i32 to index
        %get3A_393 = arith.index_cast %mul3A_390 : i32 to index
        %get3A_394 = tpu.vector_load %arg7[%get3A_392, %get3A_393] {strides = array<i32>} : memref<1x2064xf32, #tpu.memory_space<vmem>>, vector<16xf32>,
        %min3A_395 = arith.minimumf %get3A_394, %min3A_388 : vector<16xf32>
        %mul3A_396 = arith.constant 16 : i32
        %mul3A_397 = arith.muli %scan3A_260, %mul3A_396 : i32
        %swap3A_398 = arith.constant 0 : i32
        %swap3A_399 = arith.index_cast %swap3A_398 : i32 to index
        %swap3A_400 = arith.index_cast %mul3A_397 : i32 to index
        %swap3A_401 = tpu.vector_load %arg7[%swap3A_399, %swap3A_400] {strides = array<i32>} : memref<1x2064xf32, #tpu.memory_space<vmem>>, vector<16xf32>,
        tpu.vector_store %arg7[%swap3A_399, %swap3A_400], %min3A_395 {strides = array<i32>} : memref<1x2064xf32, #tpu.memory_space<vmem>>, vector<16xf32>,
        scf.yield %min3A, %min3A_309, %min3A_321, %min3A_333, %min3A_345, %min3A_357, %min3A_369, %min3A_381 : vector<16xf32>, vector<16xf32>, vector<16xf32>, vector<16xf32>, vector<16xf32>, vector<16xf32>, vector<16xf32>, vector<16xf32>
      }
      %scan3A_219 = arith.constant 128 : i32
      %reduce_min3A_220 = arith.constant true
      %reduce_min3A_221 = vector.broadcast %reduce_min3A_220 : i1 to vector<16xi1>
      %reduce_min3A_222 = tpu.scan <min>, %scan3A_218#0 masked %reduce_min3A_221 : vector<16xf32>, vector<16xi1> -> vector<16xf32>
      %reduce_min3A_223 = vector.extract %reduce_min3A_222[15] : f32 from vector<16xf32>
      %add3A_224 = arith.addf %add3A_163, %reduce_min3A_223 : f32
      %reduce_min3A_225 = arith.constant true
      %reduce_min3A_226 = vector.broadcast %reduce_min3A_225 : i1 to vector<16xi1>
      %reduce_min3A_227 = tpu.scan <min>, %scan3A_218#1 masked %reduce_min3A_226 : vector<16xf32>, vector<16xi1> -> vector<16xf32>
      %reduce_min3A_228 = vector.extract %reduce_min3A_227[15] : f32 from vector<16xf32>
      %add3A_229 = arith.addf %add3A_224, %reduce_min3A_228 : f32
      %reduce_min3A_230 = arith.constant true
      %reduce_min3A_231 = vector.broadcast %reduce_min3A_230 : i1 to vector<16xi1>
      %reduce_min3A_232 = tpu.scan <min>, %scan3A_218#2 masked %reduce_min3A_231 : vector<16xf32>, vector<16xi1> -> vector<16xf32>
      %reduce_min3A_233 = vector.extract %reduce_min3A_232[15] : f32 from vector<16xf32>
      %add3A_234 = arith.addf %add3A_229, %reduce_min3A_233 : f32
      %reduce_min3A_235 = arith.constant true
      %reduce_min3A_236 = vector.broadcast %reduce_min3A_235 : i1 to vector<16xi1>
      %reduce_min3A_237 = tpu.scan <min>, %scan3A_218#3 masked %reduce_min3A_236 : vector<16xf32>, vector<16xi1> -> vector<16xf32>
      %reduce_min3A_238 = vector.extract %reduce_min3A_237[15] : f32 from vector<16xf32>
      %add3A_239 = arith.addf %add3A_234, %reduce_min3A_238 : f32
      %reduce_min3A_240 = arith.constant true
      %reduce_min3A_241 = vector.broadcast %reduce_min3A_240 : i1 to vector<16xi1>
      %reduce_min3A_242 = tpu.scan <min>, %scan3A_218#4 masked %reduce_min3A_241 : vector<16xf32>, vector<16xi1> -> vector<16xf32>
      %reduce_min3A_243 = vector.extract %reduce_min3A_242[15] : f32 from vector<16xf32>
      %add3A_244 = arith.addf %add3A_239, %reduce_min3A_243 : f32
      %reduce_min3A_245 = arith.constant true
      %reduce_min3A_246 = vector.broadcast %reduce_min3A_245 : i1 to vector<16xi1>
      %reduce_min3A_247 = tpu.scan <min>, %scan3A_218#5 masked %reduce_min3A_246 : vector<16xf32>, vector<16xi1> -> vector<16xf32>
      %reduce_min3A_248 = vector.extract %reduce_min3A_247[15] : f32 from vector<16xf32>
      %add3A_249 = arith.addf %add3A_244, %reduce_min3A_248 : f32
      %reduce_min3A_250 = arith.constant true
      %reduce_min3A_251 = vector.broadcast %reduce_min3A_250 : i1 to vector<16xi1>
      %reduce_min3A_252 = tpu.scan <min>, %scan3A_218#6 masked %reduce_min3A_251 : vector<16xf32>, vector<16xi1> -> vector<16xf32>
      %reduce_min3A_253 = vector.extract %reduce_min3A_252[15] : f32 from vector<16xf32>
      %add3A_254 = arith.addf %add3A_249, %reduce_min3A_253 : f32
      %reduce_min3A_255 = arith.constant true
      %reduce_min3A_256 = vector.broadcast %reduce_min3A_255 : i1 to vector<16xi1>
      %reduce_min3A_257 = tpu.scan <min>, %scan3A_218#7 masked %reduce_min3A_256 : vector<16xf32>, vector<16xi1> -> vector<16xf32>
      %reduce_min3A_258 = vector.extract %reduce_min3A_257[15] : f32 from vector<16xf32>
      %add3A_259 = arith.addf %add3A_254, %reduce_min3A_258 : f32
      scf.yield %add3A_259 : f32
    }
    %scan3A_45 = arith.constant 8 : i32
    %broadcast_in_dim3A = vector.broadcast %scan3A_44 : f32 to vector<16xf32>
    %swap3A = arith.constant 0 : i32
    %swap3A_46 = arith.index_cast %swap3A : i32 to index
    %swap3A_47 = arith.constant 2048 : index
    %swap3A_48 = tpu.vector_load %arg7[%swap3A_46, %swap3A_47] {strides = array<i32>} : memref<1x2064xf32, #tpu.memory_space<vmem>>, vector<16xf32>,
    tpu.vector_store %arg7[%swap3A_46, %swap3A_47], %broadcast_in_dim3A {strides = array<i32>} : memref<1x2064xf32, #tpu.memory_space<vmem>>, vector<16xf32>,
    "tpu.region"() ({
      %run_scoped3A = tpu.sem_alloc : memref<!tpu.dma_semaphore, #tpu.memory_space<semaphore_mem>>
      %dma_start3A = arith.constant 0 : i32
      %dma_start3A_52 = arith.constant 0 : i32
      %dma_start3A_53 = tpu.memref_slice %arg10[%arg1, %dma_start3A, %dma_start3A_52] : memref<16x1x2064xf32, #tpu.memory_space<vmem_shared>> -> memref<1x1x2064xf32, #tpu.memory_space<vmem_shared>>
      %dma_start3A_54 = tpu.memref_squeeze %dma_start3A_53 : memref<1x1x2064xf32, #tpu.memory_space<vmem_shared>> -> memref<1x2064xf32, #tpu.memory_space<vmem_shared>>
      %dma_start3A_55 = arith.constant 0 : i32
      %dma_start3A_56 = arith.constant 0 : i32
      %dma_start3A_57 = tpu.memref_slice %arg10[%arg1, %dma_start3A_55, %dma_start3A_56] : memref<16x1x2064xf32, #tpu.memory_space<vmem_shared>> -> memref<1x1x2064xf32, #tpu.memory_space<vmem_shared>>
      %dma_start3A_58 = tpu.memref_squeeze %dma_start3A_57 : memref<1x1x2064xf32, #tpu.memory_space<vmem_shared>> -> memref<1x2064xf32, #tpu.memory_space<vmem_shared>>
      tpu.enqueue_dma source(%arg7 : memref<1x2064xf32, #tpu.memory_space<vmem>>) target(%dma_start3A_58 : memref<1x2064xf32, #tpu.memory_space<vmem_shared>>) target_semaphore(%run_scoped3A : memref<!tpu.dma_semaphore, #tpu.memory_space<semaphore_mem>>)
      %dma_wait3A = arith.constant 0 : i32
      %dma_wait3A_59 = arith.constant 0 : i32
      %dma_wait3A_60 = tpu.memref_slice %arg10[%arg1, %dma_wait3A, %dma_wait3A_59] : memref<16x1x2064xf32, #tpu.memory_space<vmem_shared>> -> memref<1x1x2064xf32, #tpu.memory_space<vmem_shared>>
      %dma_wait3A_61 = tpu.memref_squeeze %dma_wait3A_60 : memref<1x1x2064xf32, #tpu.memory_space<vmem_shared>> -> memref<1x2064xf32, #tpu.memory_space<vmem_shared>>
      %dma_wait3A_62 = arith.constant 0 : i32
      %dma_wait3A_63 = arith.constant 0 : i32
      %dma_wait3A_64 = tpu.memref_slice %arg10[%arg1, %dma_wait3A_62, %dma_wait3A_63] : memref<16x1x2064xf32, #tpu.memory_space<vmem_shared>> -> memref<1x1x2064xf32, #tpu.memory_space<vmem_shared>>
      %dma_wait3A_65 = tpu.memref_squeeze %dma_wait3A_64 : memref<1x1x2064xf32, #tpu.memory_space<vmem_shared>> -> memref<1x2064xf32, #tpu.memory_space<vmem_shared>>
      tpu.wait_dma2 semaphore(%run_scoped3A : memref<!tpu.dma_semaphore, #tpu.memory_space<semaphore_mem>>) src(%arg7 : memref<1x2064xf32, #tpu.memory_space<vmem>>) dst(%dma_wait3A_65 : memref<1x2064xf32, #tpu.memory_space<vmem_shared>>)
      tpu.yield
    }) : () -> ()
    %barrier3A = arith.constant 0 : index
    tpu.barrier barrier_id(%barrier3A)
    %eq3A_49 = arith.constant 0 : i32
    %eq3A_50 = arith.cmpi eq, %select_n3A_30, %eq3A_49 : i32
    %convert_element_type3A = arith.extui %eq3A_50 : i1 to i32
    %cond3A = arith.constant 0 : i32
    %cond3A_51 = arith.cmpi ne, %convert_element_type3A, %cond3A : i32
    scf.if %cond3A_51 {
      "tpu.region"() ({
        %run_scoped3A = tpu.sem_alloc : memref<!tpu.dma_semaphore, #tpu.memory_space<semaphore_mem>>
        %dma_start3A = arith.constant 0 : i32
        %dma_start3A_181 = arith.constant 0 : i32
        %dma_start3A_182 = tpu.memref_slice %arg10[%arg1, %dma_start3A, %dma_start3A_181] : memref<16x1x2064xf32, #tpu.memory_space<vmem_shared>> -> memref<16x1x2064xf32, #tpu.memory_space<vmem_shared>>
        %dma_start3A_183 = arith.constant 0 : i32
        %dma_start3A_184 = arith.constant 0 : i32
        %dma_start3A_185 = tpu.memref_slice %arg10[%arg1, %dma_start3A_183, %dma_start3A_184] : memref<16x1x2064xf32, #tpu.memory_space<vmem_shared>> -> memref<16x1x2064xf32, #tpu.memory_space<vmem_shared>>
        tpu.enqueue_dma source(%dma_start3A_185 : memref<16x1x2064xf32, #tpu.memory_space<vmem_shared>>) target(%arg8 : memref<16x1x2064xf32, #tpu.memory_space<vmem>>) target_semaphore(%run_scoped3A : memref<!tpu.dma_semaphore, #tpu.memory_space<semaphore_mem>>)
        %dma_wait3A = arith.constant 0 : i32
        %dma_wait3A_186 = arith.constant 0 : i32
        %dma_wait3A_187 = tpu.memref_slice %arg10[%arg1, %dma_wait3A, %dma_wait3A_186] : memref<16x1x2064xf32, #tpu.memory_space<vmem_shared>> -> memref<16x1x2064xf32, #tpu.memory_space<vmem_shared>>
        %dma_wait3A_188 = arith.constant 0 : i32
        %dma_wait3A_189 = arith.constant 0 : i32
        %dma_wait3A_190 = tpu.memref_slice %arg10[%arg1, %dma_wait3A_188, %dma_wait3A_189] : memref<16x1x2064xf32, #tpu.memory_space<vmem_shared>> -> memref<16x1x2064xf32, #tpu.memory_space<vmem_shared>>
        tpu.wait_dma2 semaphore(%run_scoped3A : memref<!tpu.dma_semaphore, #tpu.memory_space<semaphore_mem>>) src(%dma_wait3A_190 : memref<16x1x2064xf32, #tpu.memory_space<vmem_shared>>) dst(%arg8 : memref<16x1x2064xf32, #tpu.memory_space<vmem>>)
        tpu.yield
      }) : () -> ()
      %broadcast_in_dim3A_52 = arith.constant 0.000000e+00 : f32
      %broadcast_in_dim3A_53 = vector.broadcast %broadcast_in_dim3A_52 : f32 to vector<16xf32>
      %scan3A_54 = arith.constant 0 : i32
      %scan3A_55 = arith.constant 128 : i32
      %scan3A_56 = arith.addi %scan3A_54, %scan3A_55 : i32
      %scan3A_57 = arith.constant 1 : i32
      %scan3A_58 = scf.for %scan3A_181 = %scan3A_54 to %scan3A_56 step %scan3A_57 iter_args(%scan3A_182 = %broadcast_in_dim3A_53) -> (vector<16xf32>)  : i32 {
        %mul3A_183 = arith.constant 16 : i32
        %mul3A_184 = arith.muli %scan3A_181, %mul3A_183 : i32
        %get3A_185 = arith.constant 0 : i32
        %get3A_186 = arith.constant 0 : i32
        %get3A_187 = arith.index_cast %get3A_185 : i32 to index
        %get3A_188 = arith.index_cast %get3A_186 : i32 to index
        %get3A_189 = arith.index_cast %mul3A_184 : i32 to index
        %get3A_190 = tpu.vector_load %arg8[%get3A_187, %get3A_188, %get3A_189] {strides = array<i32>} : memref<16x1x2064xf32, #tpu.memory_space<vmem>>, vector<16xf32>,
        %mul3A_191 = arith.constant 16 : i32
        %mul3A_192 = arith.muli %scan3A_181, %mul3A_191 : i32
        %get3A_193 = arith.constant 1 : i32
        %get3A_194 = arith.constant 0 : i32
        %get3A_195 = arith.index_cast %get3A_193 : i32 to index
        %get3A_196 = arith.index_cast %get3A_194 : i32 to index
        %get3A_197 = arith.index_cast %mul3A_192 : i32 to index
        %get3A_198 = tpu.vector_load %arg8[%get3A_195, %get3A_196, %get3A_197] {strides = array<i32>} : memref<16x1x2064xf32, #tpu.memory_space<vmem>>, vector<16xf32>,
        %mul3A_199 = arith.constant 16 : i32
        %mul3A_200 = arith.muli %scan3A_181, %mul3A_199 : i32
        %get3A_201 = arith.constant 2 : i32
        %get3A_202 = arith.constant 0 : i32
        %get3A_203 = arith.index_cast %get3A_201 : i32 to index
        %get3A_204 = arith.index_cast %get3A_202 : i32 to index
        %get3A_205 = arith.index_cast %mul3A_200 : i32 to index
        %get3A_206 = tpu.vector_load %arg8[%get3A_203, %get3A_204, %get3A_205] {strides = array<i32>} : memref<16x1x2064xf32, #tpu.memory_space<vmem>>, vector<16xf32>,
        %mul3A_207 = arith.constant 16 : i32
        %mul3A_208 = arith.muli %scan3A_181, %mul3A_207 : i32
        %get3A_209 = arith.constant 3 : i32
        %get3A_210 = arith.constant 0 : i32
        %get3A_211 = arith.index_cast %get3A_209 : i32 to index
        %get3A_212 = arith.index_cast %get3A_210 : i32 to index
        %get3A_213 = arith.index_cast %mul3A_208 : i32 to index
        %get3A_214 = tpu.vector_load %arg8[%get3A_211, %get3A_212, %get3A_213] {strides = array<i32>} : memref<16x1x2064xf32, #tpu.memory_space<vmem>>, vector<16xf32>,
        %mul3A_215 = arith.constant 16 : i32
        %mul3A_216 = arith.muli %scan3A_181, %mul3A_215 : i32
        %get3A_217 = arith.constant 4 : i32
        %get3A_218 = arith.constant 0 : i32
        %get3A_219 = arith.index_cast %get3A_217 : i32 to index
        %get3A_220 = arith.index_cast %get3A_218 : i32 to index
        %get3A_221 = arith.index_cast %mul3A_216 : i32 to index
        %get3A_222 = tpu.vector_load %arg8[%get3A_219, %get3A_220, %get3A_221] {strides = array<i32>} : memref<16x1x2064xf32, #tpu.memory_space<vmem>>, vector<16xf32>,
        %mul3A_223 = arith.constant 16 : i32
        %mul3A_224 = arith.muli %scan3A_181, %mul3A_223 : i32
        %get3A_225 = arith.constant 5 : i32
        %get3A_226 = arith.constant 0 : i32
        %get3A_227 = arith.index_cast %get3A_225 : i32 to index
        %get3A_228 = arith.index_cast %get3A_226 : i32 to index
        %get3A_229 = arith.index_cast %mul3A_224 : i32 to index
        %get3A_230 = tpu.vector_load %arg8[%get3A_227, %get3A_228, %get3A_229] {strides = array<i32>} : memref<16x1x2064xf32, #tpu.memory_space<vmem>>, vector<16xf32>,
        %mul3A_231 = arith.constant 16 : i32
        %mul3A_232 = arith.muli %scan3A_181, %mul3A_231 : i32
        %get3A_233 = arith.constant 6 : i32
        %get3A_234 = arith.constant 0 : i32
        %get3A_235 = arith.index_cast %get3A_233 : i32 to index
        %get3A_236 = arith.index_cast %get3A_234 : i32 to index
        %get3A_237 = arith.index_cast %mul3A_232 : i32 to index
        %get3A_238 = tpu.vector_load %arg8[%get3A_235, %get3A_236, %get3A_237] {strides = array<i32>} : memref<16x1x2064xf32, #tpu.memory_space<vmem>>, vector<16xf32>,
        %mul3A_239 = arith.constant 16 : i32
        %mul3A_240 = arith.muli %scan3A_181, %mul3A_239 : i32
        %get3A_241 = arith.constant 7 : i32
        %get3A_242 = arith.constant 0 : i32
        %get3A_243 = arith.index_cast %get3A_241 : i32 to index
        %get3A_244 = arith.index_cast %get3A_242 : i32 to index
        %get3A_245 = arith.index_cast %mul3A_240 : i32 to index
        %get3A_246 = tpu.vector_load %arg8[%get3A_243, %get3A_244, %get3A_245] {strides = array<i32>} : memref<16x1x2064xf32, #tpu.memory_space<vmem>>, vector<16xf32>,
        %mul3A_247 = arith.constant 16 : i32
        %mul3A_248 = arith.muli %scan3A_181, %mul3A_247 : i32
        %get3A_249 = arith.constant 8 : i32
        %get3A_250 = arith.constant 0 : i32
        %get3A_251 = arith.index_cast %get3A_249 : i32 to index
        %get3A_252 = arith.index_cast %get3A_250 : i32 to index
        %get3A_253 = arith.index_cast %mul3A_248 : i32 to index
        %get3A_254 = tpu.vector_load %arg8[%get3A_251, %get3A_252, %get3A_253] {strides = array<i32>} : memref<16x1x2064xf32, #tpu.memory_space<vmem>>, vector<16xf32>,
        %mul3A_255 = arith.constant 16 : i32
        %mul3A_256 = arith.muli %scan3A_181, %mul3A_255 : i32
        %get3A_257 = arith.constant 9 : i32
        %get3A_258 = arith.constant 0 : i32
        %get3A_259 = arith.index_cast %get3A_257 : i32 to index
        %get3A_260 = arith.index_cast %get3A_258 : i32 to index
        %get3A_261 = arith.index_cast %mul3A_256 : i32 to index
        %get3A_262 = tpu.vector_load %arg8[%get3A_259, %get3A_260, %get3A_261] {strides = array<i32>} : memref<16x1x2064xf32, #tpu.memory_space<vmem>>, vector<16xf32>,
        %mul3A_263 = arith.constant 16 : i32
        %mul3A_264 = arith.muli %scan3A_181, %mul3A_263 : i32
        %get3A_265 = arith.constant 10 : i32
        %get3A_266 = arith.constant 0 : i32
        %get3A_267 = arith.index_cast %get3A_265 : i32 to index
        %get3A_268 = arith.index_cast %get3A_266 : i32 to index
        %get3A_269 = arith.index_cast %mul3A_264 : i32 to index
        %get3A_270 = tpu.vector_load %arg8[%get3A_267, %get3A_268, %get3A_269] {strides = array<i32>} : memref<16x1x2064xf32, #tpu.memory_space<vmem>>, vector<16xf32>,
        %mul3A_271 = arith.constant 16 : i32
        %mul3A_272 = arith.muli %scan3A_181, %mul3A_271 : i32
        %get3A_273 = arith.constant 11 : i32
        %get3A_274 = arith.constant 0 : i32
        %get3A_275 = arith.index_cast %get3A_273 : i32 to index
        %get3A_276 = arith.index_cast %get3A_274 : i32 to index
        %get3A_277 = arith.index_cast %mul3A_272 : i32 to index
        %get3A_278 = tpu.vector_load %arg8[%get3A_275, %get3A_276, %get3A_277] {strides = array<i32>} : memref<16x1x2064xf32, #tpu.memory_space<vmem>>, vector<16xf32>,
        %mul3A_279 = arith.constant 16 : i32
        %mul3A_280 = arith.muli %scan3A_181, %mul3A_279 : i32
        %get3A_281 = arith.constant 12 : i32
        %get3A_282 = arith.constant 0 : i32
        %get3A_283 = arith.index_cast %get3A_281 : i32 to index
        %get3A_284 = arith.index_cast %get3A_282 : i32 to index
        %get3A_285 = arith.index_cast %mul3A_280 : i32 to index
        %get3A_286 = tpu.vector_load %arg8[%get3A_283, %get3A_284, %get3A_285] {strides = array<i32>} : memref<16x1x2064xf32, #tpu.memory_space<vmem>>, vector<16xf32>,
        %mul3A_287 = arith.constant 16 : i32
        %mul3A_288 = arith.muli %scan3A_181, %mul3A_287 : i32
        %get3A_289 = arith.constant 13 : i32
        %get3A_290 = arith.constant 0 : i32
        %get3A_291 = arith.index_cast %get3A_289 : i32 to index
        %get3A_292 = arith.index_cast %get3A_290 : i32 to index
        %get3A_293 = arith.index_cast %mul3A_288 : i32 to index
        %get3A_294 = tpu.vector_load %arg8[%get3A_291, %get3A_292, %get3A_293] {strides = array<i32>} : memref<16x1x2064xf32, #tpu.memory_space<vmem>>, vector<16xf32>,
        %mul3A_295 = arith.constant 16 : i32
        %mul3A_296 = arith.muli %scan3A_181, %mul3A_295 : i32
        %get3A_297 = arith.constant 14 : i32
        %get3A_298 = arith.constant 0 : i32
        %get3A_299 = arith.index_cast %get3A_297 : i32 to index
        %get3A_300 = arith.index_cast %get3A_298 : i32 to index
        %get3A_301 = arith.index_cast %mul3A_296 : i32 to index
        %get3A_302 = tpu.vector_load %arg8[%get3A_299, %get3A_300, %get3A_301] {strides = array<i32>} : memref<16x1x2064xf32, #tpu.memory_space<vmem>>, vector<16xf32>,
        %mul3A_303 = arith.constant 16 : i32
        %mul3A_304 = arith.muli %scan3A_181, %mul3A_303 : i32
        %get3A_305 = arith.constant 15 : i32
        %get3A_306 = arith.constant 0 : i32
        %get3A_307 = arith.index_cast %get3A_305 : i32 to index
        %get3A_308 = arith.index_cast %get3A_306 : i32 to index
        %get3A_309 = arith.index_cast %mul3A_304 : i32 to index
        %get3A_310 = tpu.vector_load %arg8[%get3A_307, %get3A_308, %get3A_309] {strides = array<i32>} : memref<16x1x2064xf32, #tpu.memory_space<vmem>>, vector<16xf32>,
        %min3A = arith.minimumf %get3A_190, %get3A_198 : vector<16xf32>
        %min3A_311 = arith.minimumf %get3A_206, %get3A_214 : vector<16xf32>
        %min3A_312 = arith.minimumf %get3A_222, %get3A_230 : vector<16xf32>
        %min3A_313 = arith.minimumf %get3A_238, %get3A_246 : vector<16xf32>
        %min3A_314 = arith.minimumf %get3A_254, %get3A_262 : vector<16xf32>
        %min3A_315 = arith.minimumf %get3A_270, %get3A_278 : vector<16xf32>
        %min3A_316 = arith.minimumf %get3A_286, %get3A_294 : vector<16xf32>
        %min3A_317 = arith.minimumf %get3A_302, %get3A_310 : vector<16xf32>
        %min3A_318 = arith.minimumf %min3A, %min3A_311 : vector<16xf32>
        %min3A_319 = arith.minimumf %min3A_312, %min3A_313 : vector<16xf32>
        %min3A_320 = arith.minimumf %min3A_314, %min3A_315 : vector<16xf32>
        %min3A_321 = arith.minimumf %min3A_316, %min3A_317 : vector<16xf32>
        %min3A_322 = arith.minimumf %min3A_318, %min3A_319 : vector<16xf32>
        %min3A_323 = arith.minimumf %min3A_320, %min3A_321 : vector<16xf32>
        %min3A_324 = arith.minimumf %min3A_322, %min3A_323 : vector<16xf32>
        %add3A_325 = arith.addf %scan3A_182, %min3A_324 : vector<16xf32>
        scf.yield %add3A_325 : vector<16xf32>
      }
      %scan3A_59 = arith.constant 128 : i32
      %reduce_sum3A = arith.constant true
      %reduce_sum3A_60 = vector.broadcast %reduce_sum3A : i1 to vector<16xi1>
      %reduce_sum3A_61 = tpu.scan <sum>, %scan3A_58 masked %reduce_sum3A_60 : vector<16xf32>, vector<16xi1> -> vector<16xf32>
      %reduce_sum3A_62 = vector.extract %reduce_sum3A_61[15] : f32 from vector<16xf32>
      %get3A = arith.constant 0 : i32
      %get3A_63 = arith.constant 0 : i32
      %get3A_64 = arith.index_cast %get3A : i32 to index
      %get3A_65 = arith.index_cast %get3A_63 : i32 to index
      %get3A_66 = arith.constant 2048 : index
      %get3A_67 = tpu.vector_load %arg8[%get3A_64, %get3A_65, %get3A_66] {strides = array<i32>} : memref<16x1x2064xf32, #tpu.memory_space<vmem>>, vector<16xf32>,
      %get3A_68 = arith.constant 1 : i32
      %get3A_69 = arith.constant 0 : i32
      %get3A_70 = arith.index_cast %get3A_68 : i32 to index
      %get3A_71 = arith.index_cast %get3A_69 : i32 to index
      %get3A_72 = arith.constant 2048 : index
      %get3A_73 = tpu.vector_load %arg8[%get3A_70, %get3A_71, %get3A_72] {strides = array<i32>} : memref<16x1x2064xf32, #tpu.memory_space<vmem>>, vector<16xf32>,
      %add3A_74 = arith.addf %get3A_67, %get3A_73 : vector<16xf32>
      %get3A_75 = arith.constant 2 : i32
      %get3A_76 = arith.constant 0 : i32
      %get3A_77 = arith.index_cast %get3A_75 : i32 to index
      %get3A_78 = arith.index_cast %get3A_76 : i32 to index
      %get3A_79 = arith.constant 2048 : index
      %get3A_80 = tpu.vector_load %arg8[%get3A_77, %get3A_78, %get3A_79] {strides = array<i32>} : memref<16x1x2064xf32, #tpu.memory_space<vmem>>, vector<16xf32>,
      %add3A_81 = arith.addf %add3A_74, %get3A_80 : vector<16xf32>
      %get3A_82 = arith.constant 3 : i32
      %get3A_83 = arith.constant 0 : i32
      %get3A_84 = arith.index_cast %get3A_82 : i32 to index
      %get3A_85 = arith.index_cast %get3A_83 : i32 to index
      %get3A_86 = arith.constant 2048 : index
      %get3A_87 = tpu.vector_load %arg8[%get3A_84, %get3A_85, %get3A_86] {strides = array<i32>} : memref<16x1x2064xf32, #tpu.memory_space<vmem>>, vector<16xf32>,
      %add3A_88 = arith.addf %add3A_81, %get3A_87 : vector<16xf32>
      %get3A_89 = arith.constant 4 : i32
      %get3A_90 = arith.constant 0 : i32
      %get3A_91 = arith.index_cast %get3A_89 : i32 to index
      %get3A_92 = arith.index_cast %get3A_90 : i32 to index
      %get3A_93 = arith.constant 2048 : index
      %get3A_94 = tpu.vector_load %arg8[%get3A_91, %get3A_92, %get3A_93] {strides = array<i32>} : memref<16x1x2064xf32, #tpu.memory_space<vmem>>, vector<16xf32>,
      %add3A_95 = arith.addf %add3A_88, %get3A_94 : vector<16xf32>
      %get3A_96 = arith.constant 5 : i32
      %get3A_97 = arith.constant 0 : i32
      %get3A_98 = arith.index_cast %get3A_96 : i32 to index
      %get3A_99 = arith.index_cast %get3A_97 : i32 to index
      %get3A_100 = arith.constant 2048 : index
      %get3A_101 = tpu.vector_load %arg8[%get3A_98, %get3A_99, %get3A_100] {strides = array<i32>} : memref<16x1x2064xf32, #tpu.memory_space<vmem>>, vector<16xf32>,
      %add3A_102 = arith.addf %add3A_95, %get3A_101 : vector<16xf32>
      %get3A_103 = arith.constant 6 : i32
      %get3A_104 = arith.constant 0 : i32
      %get3A_105 = arith.index_cast %get3A_103 : i32 to index
      %get3A_106 = arith.index_cast %get3A_104 : i32 to index
      %get3A_107 = arith.constant 2048 : index
      %get3A_108 = tpu.vector_load %arg8[%get3A_105, %get3A_106, %get3A_107] {strides = array<i32>} : memref<16x1x2064xf32, #tpu.memory_space<vmem>>, vector<16xf32>,
      %add3A_109 = arith.addf %add3A_102, %get3A_108 : vector<16xf32>
      %get3A_110 = arith.constant 7 : i32
      %get3A_111 = arith.constant 0 : i32
      %get3A_112 = arith.index_cast %get3A_110 : i32 to index
      %get3A_113 = arith.index_cast %get3A_111 : i32 to index
      %get3A_114 = arith.constant 2048 : index
      %get3A_115 = tpu.vector_load %arg8[%get3A_112, %get3A_113, %get3A_114] {strides = array<i32>} : memref<16x1x2064xf32, #tpu.memory_space<vmem>>, vector<16xf32>,
      %add3A_116 = arith.addf %add3A_109, %get3A_115 : vector<16xf32>
      %get3A_117 = arith.constant 8 : i32
      %get3A_118 = arith.constant 0 : i32
      %get3A_119 = arith.index_cast %get3A_117 : i32 to index
      %get3A_120 = arith.index_cast %get3A_118 : i32 to index
      %get3A_121 = arith.constant 2048 : index
      %get3A_122 = tpu.vector_load %arg8[%get3A_119, %get3A_120, %get3A_121] {strides = array<i32>} : memref<16x1x2064xf32, #tpu.memory_space<vmem>>, vector<16xf32>,
      %add3A_123 = arith.addf %add3A_116, %get3A_122 : vector<16xf32>
      %get3A_124 = arith.constant 9 : i32
      %get3A_125 = arith.constant 0 : i32
      %get3A_126 = arith.index_cast %get3A_124 : i32 to index
      %get3A_127 = arith.index_cast %get3A_125 : i32 to index
      %get3A_128 = arith.constant 2048 : index
      %get3A_129 = tpu.vector_load %arg8[%get3A_126, %get3A_127, %get3A_128] {strides = array<i32>} : memref<16x1x2064xf32, #tpu.memory_space<vmem>>, vector<16xf32>,
      %add3A_130 = arith.addf %add3A_123, %get3A_129 : vector<16xf32>
      %get3A_131 = arith.constant 10 : i32
      %get3A_132 = arith.constant 0 : i32
      %get3A_133 = arith.index_cast %get3A_131 : i32 to index
      %get3A_134 = arith.index_cast %get3A_132 : i32 to index
      %get3A_135 = arith.constant 2048 : index
      %get3A_136 = tpu.vector_load %arg8[%get3A_133, %get3A_134, %get3A_135] {strides = array<i32>} : memref<16x1x2064xf32, #tpu.memory_space<vmem>>, vector<16xf32>,
      %add3A_137 = arith.addf %add3A_130, %get3A_136 : vector<16xf32>
      %get3A_138 = arith.constant 11 : i32
      %get3A_139 = arith.constant 0 : i32
      %get3A_140 = arith.index_cast %get3A_138 : i32 to index
      %get3A_141 = arith.index_cast %get3A_139 : i32 to index
      %get3A_142 = arith.constant 2048 : index
      %get3A_143 = tpu.vector_load %arg8[%get3A_140, %get3A_141, %get3A_142] {strides = array<i32>} : memref<16x1x2064xf32, #tpu.memory_space<vmem>>, vector<16xf32>,
      %add3A_144 = arith.addf %add3A_137, %get3A_143 : vector<16xf32>
      %get3A_145 = arith.constant 12 : i32
      %get3A_146 = arith.constant 0 : i32
      %get3A_147 = arith.index_cast %get3A_145 : i32 to index
      %get3A_148 = arith.index_cast %get3A_146 : i32 to index
      %get3A_149 = arith.constant 2048 : index
      %get3A_150 = tpu.vector_load %arg8[%get3A_147, %get3A_148, %get3A_149] {strides = array<i32>} : memref<16x1x2064xf32, #tpu.memory_space<vmem>>, vector<16xf32>,
      %add3A_151 = arith.addf %add3A_144, %get3A_150 : vector<16xf32>
      %get3A_152 = arith.constant 13 : i32
      %get3A_153 = arith.constant 0 : i32
      %get3A_154 = arith.index_cast %get3A_152 : i32 to index
      %get3A_155 = arith.index_cast %get3A_153 : i32 to index
      %get3A_156 = arith.constant 2048 : index
      %get3A_157 = tpu.vector_load %arg8[%get3A_154, %get3A_155, %get3A_156] {strides = array<i32>} : memref<16x1x2064xf32, #tpu.memory_space<vmem>>, vector<16xf32>,
      %add3A_158 = arith.addf %add3A_151, %get3A_157 : vector<16xf32>
      %get3A_159 = arith.constant 14 : i32
      %get3A_160 = arith.constant 0 : i32
      %get3A_161 = arith.index_cast %get3A_159 : i32 to index
      %get3A_162 = arith.index_cast %get3A_160 : i32 to index
      %get3A_163 = arith.constant 2048 : index
      %get3A_164 = tpu.vector_load %arg8[%get3A_161, %get3A_162, %get3A_163] {strides = array<i32>} : memref<16x1x2064xf32, #tpu.memory_space<vmem>>, vector<16xf32>,
      %add3A_165 = arith.addf %add3A_158, %get3A_164 : vector<16xf32>
      %get3A_166 = arith.constant 15 : i32
      %get3A_167 = arith.constant 0 : i32
      %get3A_168 = arith.index_cast %get3A_166 : i32 to index
      %get3A_169 = arith.index_cast %get3A_167 : i32 to index
      %get3A_170 = arith.constant 2048 : index
      %get3A_171 = tpu.vector_load %arg8[%get3A_168, %get3A_169, %get3A_170] {strides = array<i32>} : memref<16x1x2064xf32, #tpu.memory_space<vmem>>, vector<16xf32>,
      %add3A_172 = arith.addf %add3A_165, %get3A_171 : vector<16xf32>
      %slice3A = vector.extract_strided_slice %add3A_172 {offsets = [0], sizes = [1], strides = [1]} : vector<16xf32> to vector<1xf32>
      %squeeze3A = vector.extract %slice3A[0] : f32 from vector<1xf32>
      %add3A_173 = arith.addf %squeeze3A, %reduce_sum3A_62 : f32
      %mul3A_174 = arith.constant 4.8828125E-4 : f32
      %mul3A_175 = arith.mulf %add3A_173, %mul3A_174 : f32
      %broadcast_in_dim3A_176 = vector.broadcast %mul3A_175 : f32 to vector<16xf32>
      %swap3A_177 = arith.constant 0 : i32
      %swap3A_178 = arith.index_cast %swap3A_177 : i32 to index
      %swap3A_179 = arith.constant 0 : index
      %swap3A_180 = tpu.vector_load %arg9[%swap3A_178, %swap3A_179] {strides = array<i32>} : memref<1x16xf32, #tpu.memory_space<vmem>>, vector<16xf32>,
      tpu.vector_store %arg9[%swap3A_178, %swap3A_179], %broadcast_in_dim3A_176 {strides = array<i32>} : memref<1x16xf32, #tpu.memory_space<vmem>>, vector<16xf32>,
      "tpu.region"() ({
        %run_scoped3A = tpu.sem_alloc : memref<!tpu.dma_semaphore, #tpu.memory_space<semaphore_mem>>
        %dma_start3A = arith.constant 0 : i32
        %dma_start3A_181 = arith.constant 0 : i32
        %dma_start3A_182 = tpu.memref_slice %arg4[%add3A, %dma_start3A, %dma_start3A_181] : memref<2x1x16xf32, #tpu.memory_space<hbm>> -> memref<1x1x16xf32, #tpu.memory_space<hbm>>
        %dma_start3A_183 = tpu.memref_squeeze %dma_start3A_182 : memref<1x1x16xf32, #tpu.memory_space<hbm>> -> memref<1x16xf32, #tpu.memory_space<hbm>>
        %dma_start3A_184 = arith.constant 0 : i32
        %dma_start3A_185 = arith.constant 0 : i32
        %dma_start3A_186 = tpu.memref_slice %arg4[%add3A, %dma_start3A_184, %dma_start3A_185] : memref<2x1x16xf32, #tpu.memory_space<hbm>> -> memref<1x1x16xf32, #tpu.memory_space<hbm>>
        %dma_start3A_187 = tpu.memref_squeeze %dma_start3A_186 : memref<1x1x16xf32, #tpu.memory_space<hbm>> -> memref<1x16xf32, #tpu.memory_space<hbm>>
        tpu.enqueue_dma source(%arg9 : memref<1x16xf32, #tpu.memory_space<vmem>>) target(%dma_start3A_187 : memref<1x16xf32, #tpu.memory_space<hbm>>) target_semaphore(%run_scoped3A : memref<!tpu.dma_semaphore, #tpu.memory_space<semaphore_mem>>)
        %dma_wait3A = arith.constant 0 : i32
        %dma_wait3A_188 = arith.constant 0 : i32
        %dma_wait3A_189 = tpu.memref_slice %arg4[%add3A, %dma_wait3A, %dma_wait3A_188] : memref<2x1x16xf32, #tpu.memory_space<hbm>> -> memref<1x1x16xf32, #tpu.memory_space<hbm>>
        %dma_wait3A_190 = tpu.memref_squeeze %dma_wait3A_189 : memref<1x1x16xf32, #tpu.memory_space<hbm>> -> memref<1x16xf32, #tpu.memory_space<hbm>>
        %dma_wait3A_191 = arith.constant 0 : i32
        %dma_wait3A_192 = arith.constant 0 : i32
        %dma_wait3A_193 = tpu.memref_slice %arg4[%add3A, %dma_wait3A_191, %dma_wait3A_192] : memref<2x1x16xf32, #tpu.memory_space<hbm>> -> memref<1x1x16xf32, #tpu.memory_space<hbm>>
        %dma_wait3A_194 = tpu.memref_squeeze %dma_wait3A_193 : memref<1x1x16xf32, #tpu.memory_space<hbm>> -> memref<1x16xf32, #tpu.memory_space<hbm>>
        tpu.wait_dma2 semaphore(%run_scoped3A : memref<!tpu.dma_semaphore, #tpu.memory_space<semaphore_mem>>) src(%arg9 : memref<1x16xf32, #tpu.memory_space<vmem>>) dst(%dma_wait3A_194 : memref<1x16xf32, #tpu.memory_space<hbm>>)
        tpu.yield
      }) : () -> ()
    } else {
    }
    return
  }
}

module attributes {stable_mosaic.version = 14 : i64} {
  func.func @_tc_kernel(%arg0: i32, %arg1: i32, %arg2: memref<1x1024x8xf32, #tpu.memory_space<vmem>>, %arg3: memref<1x8x2048xf32, #tpu.memory_space<vmem>>, %arg4: memref<1x1x128xf32, #tpu.memory_space<vmem>>, %arg5: memref<1x2048xf32, #tpu.memory_space<vmem>>, %arg6: memref<1x128xf32, #tpu.memory_space<vmem>>) attributes {dimension_semantics = [#tpu.dimension_semantics<arbitrary>, #tpu.dimension_semantics<arbitrary>], iteration_bounds = array<i64: 6, 2>, scalar_prefetch = 0 : i64, scratch_operands = 2 : i64, tpu.core_type = #tpu.core_type<tc>, window_params = [{transform_indices = @transform_0, window_bounds = array<i64: 1, 1024, 8>}, {transform_indices = @transform_1, window_bounds = array<i64: 1, 8, 2048>}, {transform_indices = @transform_2, window_bounds = array<i64: 1, 1, 128>}]} {
    %eq3A = arith.constant 0 : i32
    %eq3A_0 = arith.cmpi eq, %arg1, %eq3A : i32
    %convert_element_type3A = arith.extui %eq3A_0 : i1 to i32
    %cond3A = arith.constant 0 : i32
    %cond3A_1 = arith.cmpi ne, %convert_element_type3A, %cond3A : i32
    scf.if %cond3A_1 {
      %broadcast_in_dim3A_37 = arith.constant 0x7F800000 : f32
      %broadcast_in_dim3A_38 = vector.broadcast %broadcast_in_dim3A_37 : f32 to vector<1x2048xf32>
      %swap3A_39 = arith.constant 0 : index
      %swap3A_40 = arith.constant 0 : index
      %swap3A_41 = vector.load %arg5[%swap3A_39, %swap3A_40] : memref<1x2048xf32, #tpu.memory_space<vmem>>, vector<1x2048xf32>
      tpu.vector_store %arg5[%swap3A_39, %swap3A_40], %broadcast_in_dim3A_38 {strides = array<i32>} : memref<1x2048xf32, #tpu.memory_space<vmem>>, vector<1x2048xf32>,
      %broadcast_in_dim3A_42 = arith.constant 0.000000e+00 : f32
      %broadcast_in_dim3A_43 = vector.broadcast %broadcast_in_dim3A_42 : f32 to vector<1x128xf32>
      %swap3A_44 = arith.constant 0 : index
      %swap3A_45 = arith.constant 0 : index
      %swap3A_46 = vector.load %arg6[%swap3A_44, %swap3A_45] : memref<1x128xf32, #tpu.memory_space<vmem>>, vector<1x128xf32>
      tpu.vector_store %arg6[%swap3A_44, %swap3A_45], %broadcast_in_dim3A_43 {strides = array<i32>} : memref<1x128xf32, #tpu.memory_space<vmem>>, vector<1x128xf32>,
    } else {
    }
    %get3A = arith.constant 0 : index
    %get3A_2 = arith.constant 0 : index
    %get3A_3 = arith.constant 0 : index
    %get3A_4 = vector.load %arg2[%get3A, %get3A_2, %get3A_3] : memref<1x1024x8xf32, #tpu.memory_space<vmem>>, vector<1x1024x8xf32>
    %get3A_5 = vector.shape_cast %get3A_4 : vector<1x1024x8xf32> to vector<1024x8xf32>
    %get3A_6 = arith.constant 0 : index
    %get3A_7 = arith.constant 0 : index
    %get3A_8 = arith.constant 0 : index
    %get3A_9 = vector.load %arg3[%get3A_6, %get3A_7, %get3A_8] : memref<1x8x2048xf32, #tpu.memory_space<vmem>>, vector<1x8x2048xf32>
    %get3A_10 = vector.shape_cast %get3A_9 : vector<1x8x2048xf32> to vector<8x2048xf32>
    %dot_general3A = arith.constant dense<0.000000e+00> : vector<1024x2048xf32>
    %dot_general3A_11 = tpu.matmul %get3A_5, %get3A_10, %dot_general3A {dimension_numbers = #tpu.dot_dimension_numbers<[1], [0], [0], [1], [0, 0, 1, 1], [], []>, precision = #tpu.contract_precision<fp32>, transpose_lhs_hint = false} : vector<1024x8xf32>, vector<8x2048xf32>, vector<1024x2048xf32> -> vector<1024x2048xf32>
    %get3A_12 = arith.constant 0 : index
    %get3A_13 = arith.constant 0 : index
    %get3A_14 = vector.load %arg5[%get3A_12, %get3A_13] : memref<1x2048xf32, #tpu.memory_space<vmem>>, vector<1x2048xf32>
    %reduce_min3A = arith.constant dense<0x7F800000> : vector<2048xf32>
    %reduce_min3A_15 = vector.multi_reduction <minimumf>, %dot_general3A_11, %reduce_min3A [0] : vector<1024x2048xf32> to vector<2048xf32>
    %broadcast_in_dim3A = vector.shape_cast %reduce_min3A_15 : vector<2048xf32> to vector<1x2048xf32>
    %min3A = arith.minimumf %get3A_14, %broadcast_in_dim3A : vector<1x2048xf32>
    %swap3A = arith.constant 0 : index
    %swap3A_16 = arith.constant 0 : index
    %swap3A_17 = vector.load %arg5[%swap3A, %swap3A_16] : memref<1x2048xf32, #tpu.memory_space<vmem>>, vector<1x2048xf32>
    tpu.vector_store %arg5[%swap3A, %swap3A_16], %min3A {strides = array<i32>} : memref<1x2048xf32, #tpu.memory_space<vmem>>, vector<1x2048xf32>,
    %reduce_min3A_18 = arith.constant dense<0x7F800000> : vector<1024xf32>
    %reduce_min3A_19 = vector.multi_reduction <minimumf>, %dot_general3A_11, %reduce_min3A_18 [1] : vector<1024x2048xf32> to vector<1024xf32>
    %broadcast_in_dim3A_20 = vector.shape_cast %reduce_min3A_19 : vector<1024xf32> to vector<1024x1xf32>
    %get3A_21 = arith.constant 0 : index
    %get3A_22 = arith.constant 0 : index
    %get3A_23 = vector.load %arg6[%get3A_21, %get3A_22] : memref<1x128xf32, #tpu.memory_space<vmem>>, vector<1x128xf32>
    %reduce_sum3A = vector.shape_cast %broadcast_in_dim3A_20 : vector<1024x1xf32> to vector<1x1024x1xf32>
    %reduce_sum3A_24 = arith.constant dense<0.000000e+00> : vector<1xf32>
    %reduce_sum3A_25 = vector.multi_reduction <add>, %reduce_sum3A, %reduce_sum3A_24 [1, 2] : vector<1x1024x1xf32> to vector<1xf32>
    %reduce_sum3A_26 = vector.shape_cast %reduce_sum3A_25 : vector<1xf32> to vector<1x1x1xf32>
    %reduce_sum3A_27 = vector.extract %reduce_sum3A_26[0, 0, 0] : f32 from vector<1x1x1xf32>
    %broadcast_in_dim3A_28 = vector.broadcast %reduce_sum3A_27 : f32 to vector<1x128xf32>
    %add3A = arith.addf %get3A_23, %broadcast_in_dim3A_28 : vector<1x128xf32>
    %swap3A_29 = arith.constant 0 : index
    %swap3A_30 = arith.constant 0 : index
    %swap3A_31 = vector.load %arg6[%swap3A_29, %swap3A_30] : memref<1x128xf32, #tpu.memory_space<vmem>>, vector<1x128xf32>
    tpu.vector_store %arg6[%swap3A_29, %swap3A_30], %add3A {strides = array<i32>} : memref<1x128xf32, #tpu.memory_space<vmem>>, vector<1x128xf32>,
    %eq3A_32 = arith.constant 1 : i32
    %eq3A_33 = arith.cmpi eq, %arg1, %eq3A_32 : i32
    %convert_element_type3A_34 = arith.extui %eq3A_33 : i1 to i32
    %cond3A_35 = arith.constant 0 : i32
    %cond3A_36 = arith.cmpi ne, %convert_element_type3A_34, %cond3A_35 : i32
    scf.if %cond3A_36 {
      %get3A_37 = arith.constant 0 : index
      %get3A_38 = arith.constant 0 : index
      %get3A_39 = vector.load %arg6[%get3A_37, %get3A_38] : memref<1x128xf32, #tpu.memory_space<vmem>>, vector<1x1xf32>
      %get3A_40 = vector.extract %get3A_39[0, 0] : f32 from vector<1x1xf32>
      %get3A_41 = arith.constant 0 : index
      %get3A_42 = arith.constant 0 : index
      %get3A_43 = vector.load %arg5[%get3A_41, %get3A_42] : memref<1x2048xf32, #tpu.memory_space<vmem>>, vector<1x2048xf32>
      %reduce_sum3A_44 = vector.shape_cast %get3A_43 : vector<1x2048xf32> to vector<1x1x2048xf32>
      %reduce_sum3A_45 = arith.constant dense<0.000000e+00> : vector<1xf32>
      %reduce_sum3A_46 = vector.multi_reduction <add>, %reduce_sum3A_44, %reduce_sum3A_45 [1, 2] : vector<1x1x2048xf32> to vector<1xf32>
      %reduce_sum3A_47 = vector.shape_cast %reduce_sum3A_46 : vector<1xf32> to vector<1x1x1xf32>
      %reduce_sum3A_48 = vector.extract %reduce_sum3A_47[0, 0, 0] : f32 from vector<1x1x1xf32>
      %add3A_49 = arith.addf %get3A_40, %reduce_sum3A_48 : f32
      %mul3A = arith.constant 4.8828125E-4 : f32
      %mul3A_50 = arith.mulf %add3A_49, %mul3A : f32
      %broadcast_in_dim3A_51 = vector.broadcast %mul3A_50 : f32 to vector<1x1x128xf32>
      %swap3A_52 = arith.constant 0 : index
      %swap3A_53 = arith.constant 0 : index
      %swap3A_54 = arith.constant 0 : index
      %swap3A_55 = vector.load %arg4[%swap3A_52, %swap3A_53, %swap3A_54] : memref<1x1x128xf32, #tpu.memory_space<vmem>>, vector<1x1x128xf32>
      tpu.vector_store %arg4[%swap3A_52, %swap3A_53, %swap3A_54], %broadcast_in_dim3A_51 {strides = array<i32>} : memref<1x1x128xf32, #tpu.memory_space<vmem>>, vector<1x1x128xf32>,
    } else {
    }
    return
  }
  func.func @transform_0(%arg0: i32, %arg1: i32) -> (i32, i32, i32) {
    %c0_i32 = arith.constant 0 : i32
    %c0_i32_0 = arith.constant 0 : i32
    return %arg0, %arg1, %c0_i32 : i32, i32, i32
  }
  func.func @transform_1(%arg0: i32, %arg1: i32) -> (i32, i32, i32) {
    %c0_i32 = arith.constant 0 : i32
    %c0_i32_0 = arith.constant 0 : i32
    %c0_i32_1 = arith.constant 0 : i32
    return %arg0, %c0_i32, %c0_i32_0 : i32, i32, i32
  }
  func.func @transform_2(%arg0: i32, %arg1: i32) -> (i32, i32, i32) {
    %c0_i32 = arith.constant 0 : i32
    %c0_i32_0 = arith.constant 0 : i32
    %c0_i32_1 = arith.constant 0 : i32
    return %arg0, %c0_i32, %c0_i32_0 : i32, i32, i32
  }
}

</mosaic_0001>

<sc_bundles>
// kernel: _cham.4.cloned.1.call-start
scs
__scs_entry_jumppad:
0x0: {  	(pc) =	sbr.rel $0x88, $3  }
0x1: {  	(tag) =	ssettag $0x0;
	lr =	simm.s32 $0x1  }
0x2: {  	[smem:$0x3F9D] =	sst lr;
	_ =	strace $0xD0000000  }
0x3: {  	_ = 	snop  }
0x4: {  	_ = 	snop  }
0x5: {  	_ = 	snop  }
0x6: {  	_ = 	snop  }
0x7: {  	_ = 	snop  }
__scs_overlays_trampoline_lowered:
0x8: {  	[smem:$0x3FAC] =	sst s0  }
0x9: {  	[smem:$0x3FAD] =	sst s1  }
0xa: {  	[smem:$0x3FAE] =	sst s2  }
0xb: {  	[smem:$0x3FAF] =	sst s3  }
0xc: {  	[smem:$0x3FB0] =	sst s4  }
0xd: {  	[smem:$0x3FB1] =	sst s5  }
0xe: {  	[smem:$0x3FB2] =	sst s6  }
0xf: {  	[smem:$0x3FB3] =	sst s7  }
0x10: {  	[smem:$0x3FB4] =	sst s8  }
0x11: {  	[smem:$0x3FB5] =	sst s9;
	s0 =	simm.s32 @!p0 $0x0  }
0x12: {  	s1 =	sld [smem:$0x3F9B];
	s0 =	simm.s32 @p0 $0x1  }
0x13: {  	[smem:$0x3FB6] =	sst s0;
	s0 =	simm.s32 @!p1 $0x0  }
0x14: {  	s2 =	sld [smem:$0x3F9A];
	s0 =	simm.s32 @p1 $0x1  }
0x15: {  	[smem:$0x3FB7] =	sst s0;
	s0 =	simm.s32 @!p2 $0x0  }
0x16: {  	s3 =	sld [smem:$0x3FDB];
	s0 =	simm.s32 @p2 $0x1  }
0x17: {  	s4 =	simm.s32 $0x1BF5;
	[smem:$0x3FB9] =	sst s0  }
0x18: {  	s0 =	sld [smem:$0x3F9C];
	_ =	swait.ge [sflag:s4], $0x0  }
0x19: {  	s7 =	sld [smem:$0x3F9D]  }
0x1a: {  	s8 =	sadd.s32 $0xFFFFE003, lr  }
0x1b: {  	s9 =	sadd.s32 $0xFFFFFEF7, lr;
	s5 =	simm.s32 $0xFFFFFFFF;
	p2 =	slt.u32 s8, $0xFFFFF086  }
0x1c: {  	p1 =	slt.u32 s9, $0xF7A;
	s5 =	simm.s32 @!p2 $0x0  }
0x1d: {  	s5 =	simm.s32 @p1 $0x1;
	p0 =	seq.s32 s7, s2  }
0x1e: {  	s7 =	smul.u32 @!p0 $0xF7A, s2;
	p2 =	seq.s32 @!p0 s5, $0x0  }
0x1f: {  	s9 =	smul.u32 $0xF7A, s1;
	s8 =	simm.s32 @!p0 $0x1BF5;
	p2 =	por !p2, p0  }
0x20: {  	[sflag:s8] =	ssyncset.s32 @!p0 $0xFFFFF086;
	s6 =	sadd.s32 @!p0 s3, s7;
	s7 =	simm.s32 @!p0 $0x108  }
0x21: {  	s3 =	sadd.s32 s3, s9;
	s6 =	sadd.s32 @!p0 $0x88, s6;
	s7 =	simm.s32 @p2 $0x1082  }
0x22: {  	[simem:s7], [sflag:s8] =	dma.local @!p0 [hbm:s6], $0xF7A  }
0x23: {  	s9 =	sor.u32 $0xD0000000, s2;
	s6 =	simm.s32 $0x108;
	_ =	swait.ge @!p0 [sflag:s8], $0x0  }
0x24: {  	s3 =	sadd.s32 $0x88, s3;
	s6 =	simm.s32 @!p1 $0x1082;
	[sflag:s4] =	ssyncset.s32 $0xFFFFF086  }
0x25: {  	[simem:s6], [sflag:s4] =	dma.local [hbm:s3], $0xF7A  }
0x26: {  	[smem:$0x3F9D] =	sst s1;
	(tag) =	ssettag s2;
	_ =	strace s9  }
0x27: {  	s1 =	sld [smem:$0x3FAD]  }
0x28: {  	s2 =	sld [smem:$0x3FAE]  }
0x29: {  	s4 =	sld [smem:$0x3FB0]  }
0x2a: {  	p0 =	seq.s32 s5, $0x0;
	s5 =	sld [smem:$0x3FB1]  }
0x2b: {  	s6 =	sld [smem:$0x3FB2]  }
0x2c: {  	s7 =	sld [smem:$0x3FB3]  }
0x2d: {  	s3 =	simm.s32 $0x108;
	s8 =	sld [smem:$0x3FB4]  }
0x2e: {  	s3 =	simm.s32 @!p0 $0x1082;
	s9 =	sld [smem:$0x3FB5]  }
0x2f: {  	lr =	sadd.s32 s0, s3;
	s0 =	sld [smem:$0x3FAC]  }
0x30: {  	s3 =	sld [smem:$0x3FAF]  }
0x31: {  	[smem:$0x3FB8] =	sst s10  }
0x32: {  	s10 =	sld [smem:$0x3FB6];
	_ =	sdelay $0x3  }
0x33: {  	p0 =	seq.s32 s10, $0x1;
	s10 =	sld [smem:$0x3FB8];
	_ =	sdelay $0x3  }
0x34: {  	[smem:$0x3FB8] =	sst s10  }
0x35: {  	s10 =	sld [smem:$0x3FB7];
	_ =	sdelay $0x3  }
0x36: {  	p1 =	seq.s32 s10, $0x1;
	s10 =	sld [smem:$0x3FB8];
	_ =	sdelay $0x3  }
0x37: {  	[smem:$0x3FB8] =	sst s10  }
0x38: {  	s10 =	sld [smem:$0x3FB9]  }
0x39: {  	_ = 	snop;
	(pc) =	sbr.ind lr, $3  }
0x3a: {  	_ = 	snop  }
0x3b: {  	_ = 	snop  }
0x3c: {  	p2 =	seq.s32 s10, $0x1;
	s10 =	sld [smem:$0x3FB8]  }
0x3d: {  	_ =	shalt  }
0x3e: {  	_ =	shalt  }
0x3f: {  	_ =	shalt  }
0x40: {  	_ =	shalt  }
0x41: {  	_ =	shalt  }
0x42: {  	_ =	shalt  }
0x43: {  	_ =	shalt  }
0x44: {  	_ =	shalt  }
0x45: {  	_ =	shalt  }
0x46: {  	_ =	shalt  }
0x47: {  	_ =	shalt  }
0x48: {  	_ =	shalt  }
0x49: {  	_ =	shalt  }
0x4a: {  	_ =	shalt  }
0x4b: {  	_ =	shalt  }
0x4c: {  	_ =	shalt  }
0x4d: {  	_ =	shalt  }
0x4e: {  	_ =	shalt  }
0x4f: {  	_ =	shalt  }
0x50: {  	_ =	shalt  }
0x51: {  	_ =	shalt  }
0x52: {  	_ =	shalt  }
0x53: {  	_ =	shalt  }
0x54: {  	_ =	shalt  }
0x55: {  	_ =	shalt  }
0x56: {  	_ =	shalt  }
0x57: {  	_ =	shalt  }
0x58: {  	_ =	shalt  }
0x59: {  	_ =	shalt  }
0x5a: {  	_ =	shalt  }
0x5b: {  	_ =	shalt  }
0x5c: {  	_ =	shalt  }
0x5d: {  	_ =	shalt  }
0x5e: {  	_ =	shalt  }
0x5f: {  	_ =	shalt  }
0x60: {  	_ =	shalt  }
0x61: {  	_ =	shalt  }
0x62: {  	_ =	shalt  }
0x63: {  	_ =	shalt  }
0x64: {  	_ =	shalt  }
0x65: {  	_ =	shalt  }
0x66: {  	_ =	shalt  }
0x67: {  	_ =	shalt  }
0x68: {  	_ =	shalt  }
0x69: {  	_ =	shalt  }
0x6a: {  	_ =	shalt  }
0x6b: {  	_ =	shalt  }
0x6c: {  	_ =	shalt  }
0x6d: {  	_ =	shalt  }
0x6e: {  	_ =	shalt  }
0x6f: {  	_ =	shalt  }
0x70: {  	_ =	shalt  }
0x71: {  	_ =	shalt  }
0x72: {  	_ =	shalt  }
0x73: {  	_ =	shalt  }
0x74: {  	_ =	shalt  }
0x75: {  	_ =	shalt  }
0x76: {  	_ =	shalt  }
0x77: {  	_ =	shalt  }
0x78: {  	_ =	shalt  }
0x79: {  	_ =	shalt  }
0x7a: {  	_ =	shalt  }
0x7b: {  	_ =	shalt  }
0x7c: {  	_ =	shalt  }
0x7d: {  	_ =	shalt  }
0x7e: {  	_ =	shalt  }
0x7f: {  	_ =	shalt  }
0x80: {  	_ =	shalt  }
0x81: {  	_ =	shalt  }
0x82: {  	_ =	shalt  }
0x83: {  	_ =	shalt  }
0x84: {  	_ =	shalt  }
0x85: {  	_ =	shalt  }
0x86: {  	_ =	shalt  }
0x87: {  	_ =	shalt  }
.Lfunc_end0:
.L_simem_size_0:
called_computation_lowered:
.L_overlay_start_0:
0x88: {  	s2 =	sld [smem:$0x3FD9]  }
0x89: {  	s3 =	sld [smem:$0x3FFE];
	_ =	sdelay $0x1  }
0x8a: {  	s1 =	srdreg.scid  }
0x8b: {  	s0 =	sand.u32 $0x1, s1  }
0x8c: {  	s16 =	sshll.u32 s0, $0xA;
	s2 =	sadd.s32 s3, s2  }
0x8d: {  	s2 =	sadd.s32 s2, s16  }
0x8e: {  	[smem:$0x3FC4] =	sst s2  }
0x8f: {  	_ = 	snop  }
0x90: {  	(tm) =	ssettm $0x1  }
0x91: {  	s17 =	sld [smem:$0x3FFB];
	_ =	sdelay $0x3  }
0x92: {  	_ =	strace s17  }
0x93: {  	s2 =	sld [smem:$0x3FFC];
	_ =	sdelay $0x3  }
0x94: {  	_ =	strace s2  }
0x95: {  	s2 =	sld [smem:$0x3FFD];
	_ =	sdelay $0x3  }
0x96: {  	_ =	strace s2  }
0x97: {  	_ =	strace $0x8FFFFFFF  }
0x98: {  	s18 =	sld [smem:$0x3FDB];
	_ =	sdelay $0x1  }
0x99: {  	s19 =	simm.s32 $_scs_section_size  }
0x9a: {  	s4 =	simm.s32 $_size__tile_overlayer_lowered;
	s5 =	simm.s32 $_tile_overlayer_lowered  }
0x9b: {  	s22 =	simm.s32 $0x1BFF;
	s21 =	sshll.u32 s5, $0x1;
	s2 =	sadd.s32 s19, s18  }
0x9c: {  	s6 =	simm.s32 $0x0;
	s20 =	sshll.u32 s4, $0x1;
	s4 =	sadd.s32 s21, s2  }
0x9d: {  	[timem:s6], [sflag:s22] =	dma.local [hbm:s4], s20  }
0x9e: {  	_ =	swait.ge [sflag:s22], s20  }
0x9f: {  	s3 =	ssub.s32 $0x0, s20;
	[sflag:s22] =	ssyncset.done $0x0  }
0xa0: {  	[sflag:s22] =	ssyncadd.s32 s3;
	_ =	sdelay $0x1  }
0xa1: {  	s23 =	simm.s32 $0x1B8B  }
0xa2: {  	_ =	swait.ge [sflag:s23], $0x1  }
0xa3: {  	[sflag:s23] =	ssyncset.done $0x0  }
0xa4: {  	s25 =	simm.s32 $0x1B8E;
	s24 =	sld [smem:$0x3FFE];
	[sflag:s23] =	ssyncadd.s32 $0xFFFFFFFF  }
0xa5: {  	s26 =	simm.s32 $execute0_lowered;
	[smem:$0x3FD2] =	sst s25  }
0xa6: {  	s4 =	sshll.u32 s26, $0x1;
	_ =	strace $0x80000046;
	[dreg:$0x1] =	wrdreg $0xFFFFFFFF  }
0xa7: {  	s28 =	simm.s32 $_size_execute0_lowered;
	s2 =	sadd.s32 s2, s4;
	[dreg:$0x0] =	wrdreg $0x0  }
0xa8: {  	s4 =	sshll.u32 s28, $0x1;
	[dreg:$0x2] =	wrdreg s2  }
0xa9: {  	[dreg:$0x3] =	wrdreg s4  }
0xaa: {  	[dreg:$0x4] =	wrdreg $0xC0  }
0xab: {  	_ =	task [dreg:s6], $0x5FFFF  }
0xac: {  	[dreg:$0x1] =	wrdreg $0xFFFFFFFF  }
0xad: {  	[dreg:$0x0] =	wrdreg $0x60  }
0xae: {  	[dreg:$0x2] =	wrdreg s24  }
0xaf: {  	[dreg:$0x3] =	wrdreg $0xB3000  }
0xb0: {  	[dreg:$0x4] =	wrdreg $0x9  }
0xb1: {  	_ =	task.clear_ibuf [dreg:s6], $0x5FFFF;
	_ =	strace $0x90000046  }
0xb2: {  	s29 =	simm.s32 $0x9;
	_ =	strace $0x80000048  }
0xb3: {  	_ =	swait.ge [sflag:s29], $0x1  }
0xb4: {  	[sflag:s29] =	ssyncadd.s32 $0xFFFFFFFF  }
0xb5: {  	_ =	strace $0x90000048  }
0xb6: {  	_ =	sfence  }
0xb7: {  	s30 =	sld [smem:$0x0];
	_ =	sdelay $0x2  }
0xb8: {  	s31 =	sshll.u32 s1, $0xD;
	s1 =	sshrl.u32 s1, $0x2  }
0xb9: {  	s3 =	sand.u32 $0x4000, s31;
	s1 =	sadd.s32 s1, s30  }
0xba: {  	s0 =	sor.u32 s3, s0;
	s1 =	sshll.u32 s1, $0x11  }
0xbb: {  	s0 =	sor.u32 s1, s0  }
0xbc: {  	s0 =	sadd.s32 $0x8F2B, s0  }
0xbd: {  	[sflag:s0] =	ssyncadd.remote.s32 $0x1  }
0xbe: {  	_ =	sfence.sel $0xFFFF  }
0xbf: {  	[dreg:$0x0] =	wrdreg $0xFFFFFFFF;
	(pc) =	sbr.abs _section_cstart, $3  }
0xc0: {  	[dreg:$0x1] =	wrdreg $0xFFFFFFFF  }
0xc1: {  	_ =	task.clear_ibuf [dreg:s6], $0x2FFFF;
	_ =	strace $0x9FFFFFFF  }
0xc2: {  	(tm) =	ssettm $0x7FFFFFFF  }
0xc3: {  	_ =	shalt  }
tec
execute0_lowered:
.L_overlay_start_1:
0x0: {  	(tag) =	ssettag $0x1  }
0x1: {  	s2 =	rddreg [dreg:$0x0]  }
0x2: {  	s4 =	rddreg [dreg:$0x1]  }
0x3: {  	s0 =	rddreg [dreg:$0x2];
	s1 =	simm.s32 $0x0;
	s3 =	srdreg.scid  }
0x4: {  	s10 =	stileid.u32;
	s9 =	simm.s32 $0x1;
	s11 =	simm.s32 $0xB280  }
0x5: {  	s12 =	simm.s32 $0x0;
	[smem:$0x7FF] =	sst s1;
	s3 =	sand.u32 $0x1, s3  }
0x6: {  	s7 =	smul.u32 $0x2200, s10;
	s31 =	sshll.u32 s10, $0x6;
	p0 =	sne.s32 s10, $0x0  }
0x7: {  	s10 =	simm.s32 $0x2200;
	_ =	strace $0x80000047;
	s5 =	sshll.u32 s3, $0xA  }
.Ltmp0:
0x8: {  	s6 =	sshll.u32 s3, $0x4;
	s3 =	ssub.s32 $0x2, s3;
	(pc) =	sbr.rel .LBB2_1-.Ltmp0, $4  }
0x9: {  	s5 =	sadd.s32 s5, s2;
	s6 =	sadd.s32 s6, s2;
	s30 =	sshrl.u32 s3, $0x1  }
0xa: {  	s7 =	sshrl.u32 s7, $0x2;
	s8 =	ssub.s32 s3, s30;
	s2 =	sadd.s32 s31, s5  }
0xb: {  	s3 =	sadd.s32 $0x800, s5;
	s4 =	sadd.s32 s7, s4;
	s5 =	sadd.s32 $0x1000, s6  }
0xc: {  	v0 =	vimm.f32 $+Inf;
	s7 =	simm.s32 $0x200;
	s6 =	smax.u32 s8, $0x1;
	s8 =	simm.s32 $0x2000  }
.LBB2_13:
0xd: {  	s12 =	sadd.s32 $0x1, s12  }
0xe: {  	p1 =	sne.s32 s12, s6  }
.Ltmp1:
0xf: {  	_ = 	snop;
	(pc) =	sbr.rel @!p1 .LBB2_14-.Ltmp1, $2  }
0x10: {  	_ =	sdelay $0x2  }
0x11: {  	v0 =	vimm.f32 $+Inf  }
.LBB2_1:
0x12: {  	[tilespmem:s1], [sflag:$0x1] =	stream.strided.gather [hbm4b:s2+s7], $0x0, s8, s7, $0x38;
	[tilespmem:$0xBB10] =	vst v63  }
0x13: {  	_ = 	snop  }
0x14: {  	[tilespmem:s1], [sflag:$0x1] =	stream.linear.gather [hbm4b:s2+s1], $0x180, $0x38;
	[tilespmem:$0xBB10] =	vst v63  }
0x15: {  	_ =	swait.ge [sflag:s9], $0x180  }
0x16: {  	[sflag:s9] =	ssyncset.done $0x0  }
0x17: {  	[sflag:s9] =	ssyncadd.s32 $0xFFFFFE80  }
0x18: {  	[tilespmem:s7], [sflag:$0x1] =	stream.linear.gather [hbm4b:s3+s1], $0x2000, $0x38;
	[tilespmem:$0xBB10] =	vst v63  }
0x19: {  	_ =	swait.ge [sflag:s9], $0x2000  }
0x1a: {  	[sflag:s9] =	ssyncset.done $0x0  }
0x1b: {  	s13 =	simm.s32 $0x0;
	[sflag:s9] =	ssyncadd.s32 $0xFFFFE000  }
.LBB2_2:
0x1c: {  	p1 =	sne.s32 s13, $0x1FC0  }
.Ltmp2:
0x1d: {  	_ = 	snop;
	(pc) =	sbr.rel @p1 .LBB2_2-.Ltmp2, $3  }
0x1e: {  	_ =	sdelay $0x1  }
0x1f: {  	s14 =	sshra.s32 s13, $0x2  }
0x20: {  	s13 =	sadd.s32 $0x40, s13;
	[tilespmem:s14+$0x2200] =	vst v0  }
0x21: {  	s13 =	simm.s32 $0x0;
	s15 =	simm.f32 $0.0e+00;
	s14 =	simm.s32 $0x0  }
.LBB2_4:
0x22: {  	s16 =	sshll.u32 s14, $0x4  }
0x23: {  	v3 =	vld [tilespmem:s16+$0x0]  }
0x24: {  	v2 =	vld [tilespmem:s16+$0x80]  }
0x25: {  	v1 =	vld [tilespmem:s16+$0x100];
	_ =	sdelay $0x3  }
0x26: {  	v5 =	vbroadcast v3, $0x0;
	v7 =	vbroadcast v2, $0x0  }
0x27: {  	s31 =	sand.u32 $0x70, s13;
	s17 =	sand.u32 $0x1E00, s13;
	v9 =	vbroadcast v1, $0x0;
	v13 =	vbroadcast v3, $0x1  }
0x28: {  	s16 =	sor.u32 s31, s17;
	v10 =	vbroadcast v2, $0x1;
	v16 =	vbroadcast v1, $0x1  }
0x29: {  	v6 =	vld [tilespmem:s16+$0x300];
	v18 =	vbroadcast v3, $0x2;
	v14 =	vbroadcast v2, $0x2  }
0x2a: {  	v20 =	vbroadcast v1, $0x2;
	v23 =	vbroadcast v3, $0x3  }
0x2b: {  	v19 =	vbroadcast v2, $0x3;
	v26 =	vbroadcast v1, $0x3  }
0x2c: {  	v27 =	vbroadcast v3, $0x4;
	v24 =	vbroadcast v2, $0x4  }
0x2d: {  	v4 =	vimm.f32 $+Inf;
	v8 =	vld [tilespmem:s16+$0x200];
	v29 =	vbroadcast v1, $0x4;
	v30 =	vbroadcast v3, $0x5  }
0x2e: {  	v21 =	vbroadcast v2, $0x5;
	v31 =	vbroadcast v1, $0x5;
	v11 =	vsub.f32 v6, v9  }
0x2f: {  	v44 =	vld [tilespmem:s16+$0x280];
	v33 =	vbroadcast v1, $0x6;
	v12 =	vsub.f32 v6, v16;
	v15 =	vsub.f32 v6, v20  }
0x30: {  	v35 =	vbroadcast v1, $0x7;
	v17 =	vsub.f32 v6, v26;
	v40 =	vsub.f32 v6, v29  }
0x31: {  	v32 =	vbroadcast v3, $0x6;
	v39 =	vsub.f32 v6, v31;
	v37 =	vsub.f32 v6, v33  }
0x32: {  	v34 =	vbroadcast v3, $0x7;
	v36 =	vsub.f32 v6, v35;
	v6 =	vsub.f32 v8, v5  }
0x33: {  	v22 =	vbroadcast v2, $0x6;
	v28 =	vsub.f32 v8, v30;
	v51 =	vsub.f32 v8, v32  }
0x34: {  	v25 =	vbroadcast v2, $0x7;
	v52 =	vsub.f32 v8, v34;
	v53 =	vsub.f32 v44, v7  }
0x35: {  	v38 =	vmul.f32 v11, v11;
	v11 =	vsub.f32 v8, v13;
	v41 =	vmul.f32 v12, v12  }
0x36: {  	v12 =	vsub.f32 v8, v18;
	v42 =	vmul.f32 v15, v15;
	v15 =	vsub.f32 v8, v23  }
0x37: {  	v43 =	vmul.f32 v17, v17;
	v17 =	vsub.f32 v8, v27;
	v45 =	vmul.f32 v6, v6  }
0x38: {  	v49 =	vmul.f32 v28, v28;
	v28 =	vimm.f32 $+Inf;
	v8 =	vimm.f32 $+Inf  }
0x39: {  	v6 =	vimm.f32 $+Inf;
	v46 =	vmul.f32 v11, v11;
	v47 =	vmul.f32 v12, v12  }
0x3a: {  	v48 =	vmul.f32 v15, v15;
	v50 =	vmul.f32 v17, v17;
	v17 =	vimm.f32 $+Inf  }
0x3b: {  	s17 =	simm.s32 $0x10;
	s16 =	simm.s32 $0x0;
	v15 =	vimm.f32 $+Inf;
	v11 =	vimm.f32 $+Inf;
	v12 =	vimm.f32 $+Inf  }
.LBB2_5:
0x3c: {  	p1 =	sne.s32 s17, $0x7F0;
	v54 =	vsub.f32 v44, v10;
	v55 =	vsub.f32 v44, v14;
	v51 =	vmul.f32 v51, v51  }
0x3d: {  	v56 =	vsub.f32 v44, v19;
	v57 =	vsub.f32 v44, v24;
	v52 =	vmul.f32 v52, v52  }
0x3e: {  	v58 =	vsub.f32 v44, v21;
	v53 =	vmul.f32 v53, v53;
	v54 =	vmul.f32 v54, v54  }
0x3f: {  	v59 =	vsub.f32 v44, v22;
	v55 =	vmul.f32 v55, v55;
	v56 =	vmul.f32 v56, v56  }
0x40: {  	v44 =	vsub.f32 v44, v25;
	v57 =	vmul.f32 v57, v57;
	v58 =	vmul.f32 v58, v58  }
0x41: {  	v45 =	vadd.f32 v53, v45;
	v53 =	vmul.f32 v59, v59;
	v46 =	vadd.f32 v54, v46  }
0x42: {  	v44 =	vmul.f32 v44, v44;
	v47 =	vadd.f32 v55, v47;
	v48 =	vadd.f32 v56, v48  }
0x43: {  	v40 =	vmul.f32 v40, v40;
	v50 =	vadd.f32 v57, v50;
	v49 =	vadd.f32 v58, v49  }
0x44: {  	v39 =	vmul.f32 v39, v39;
	v44 =	vadd.f32 v44, v52;
	v51 =	vadd.f32 v53, v51  }
0x45: {  	v37 =	vmul.f32 v37, v37;
	v38 =	vadd.f32 v38, v45;
	v41 =	vadd.f32 v41, v46  }
0x46: {  	v36 =	vmul.f32 v36, v36;
	v42 =	vadd.f32 v42, v47;
	v43 =	vadd.f32 v43, v48  }
0x47: {  	s18 =	sshra.s32 s16, $0x2;
	v40 =	vadd.f32 v40, v50;
	v39 =	vadd.f32 v39, v49;
	v4 =	vmin.f32 v4, v38  }
0x48: {  	v36 =	vadd.f32 v36, v44;
	v37 =	vadd.f32 v37, v51;
	v28 =	vmin.f32 v28, v41;
	v44 =	vld [tilespmem:s18+$0x2200]  }
0x49: {  	v17 =	vmin.f32 v17, v42;
	v15 =	vmin.f32 v15, v43;
	v38 =	vmin.f32 v38, v41  }
0x4a: {  	v41 =	vmin.f32 v42, v43;
	v42 =	vmin.f32 v40, v39;
	v43 =	vmin.f32 v37, v36  }
0x4b: {  	v11 =	vmin.f32 v11, v40;
	v38 =	vmin.f32 v38, v41;
	v40 =	vmin.f32 v42, v43  }
0x4c: {  	s16 =	sadd.s32 $0x40, s16;
	v12 =	vmin.f32 v12, v39;
	v8 =	vmin.f32 v8, v37;
	v37 =	vmin.f32 v38, v40  }
0x4d: {  	s19 =	sand.u32 $0x70, s17;
	s20 =	sand.u32 $0x1E00, s16;
	v6 =	vmin.f32 v6, v36;
	v36 =	vmin.f32 v44, v37  }
0x4e: {  	s19 =	sor.u32 s19, s20;
	[tilespmem:s18+$0x2200] =	vst v36  }
0x4f: {  	v36 =	vld [tilespmem:s19+$0x300];
	_ =	sdelay $0x3  }
0x50: {  	v49 =	vld [tilespmem:s19+$0x200]  }
0x51: {  	v37 =	vsub.f32 v36, v9;
	v41 =	vsub.f32 v36, v16  }
0x52: {  	v42 =	vsub.f32 v36, v20;
	v43 =	vsub.f32 v36, v26  }
0x53: {  	v40 =	vsub.f32 v36, v29;
	v39 =	vsub.f32 v36, v31  }
0x54: {  	v38 =	vmul.f32 v37, v37;
	v37 =	vsub.f32 v36, v33;
	v36 =	vsub.f32 v36, v35  }
0x55: {  	v41 =	vmul.f32 v41, v41;
	v44 =	vld [tilespmem:s19+$0x280];
	v45 =	vsub.f32 v49, v5;
	v46 =	vsub.f32 v49, v13  }
.Ltmp3:
0x56: {  	v42 =	vmul.f32 v42, v42;
	v47 =	vsub.f32 v49, v18;
	v48 =	vsub.f32 v49, v23;
	(pc) =	sbr.rel @p1 .LBB2_5-.Ltmp3, $4  }
0x57: {  	v43 =	vmul.f32 v43, v43;
	v50 =	vsub.f32 v49, v27;
	v54 =	vsub.f32 v49, v30  }
0x58: {  	v51 =	vsub.f32 v49, v32;
	v45 =	vmul.f32 v45, v45;
	v46 =	vmul.f32 v46, v46  }
0x59: {  	v52 =	vsub.f32 v49, v34;
	v47 =	vmul.f32 v47, v47;
	v48 =	vmul.f32 v48, v48  }
0x5a: {  	s17 =	sadd.s32 $0x10, s17;
	v50 =	vmul.f32 v50, v50;
	v49 =	vmul.f32 v54, v54;
	v53 =	vsub.f32 v44, v7  }
0x5b: {  	v5 =	vsub.f32 v44, v10  }
0x5c: {  	v7 =	vsub.f32 v44, v14;
	v9 =	vmul.f32 v51, v51;
	v10 =	vsub.f32 v44, v19  }
0x5d: {  	v14 =	vmul.f32 v52, v52;
	v18 =	vsub.f32 v44, v21;
	v21 =	vmul.f32 v40, v40  }
0x5e: {  	v19 =	vsub.f32 v44, v22;
	v22 =	vmul.f32 v39, v39;
	v29 =	vbroadcast v3, $0xB  }
0x5f: {  	v13 =	vsub.f32 v44, v24;
	v16 =	vmul.f32 v53, v53;
	v5 =	vmul.f32 v5, v5  }
0x60: {  	v7 =	vmul.f32 v7, v7;
	v10 =	vmul.f32 v10, v10  }
0x61: {  	v20 =	vsub.f32 v44, v25;
	v13 =	vmul.f32 v13, v13;
	v18 =	vmul.f32 v18, v18  }
0x62: {  	v19 =	vmul.f32 v19, v19;
	v16 =	vadd.f32 v16, v45;
	v5 =	vadd.f32 v5, v46  }
0x63: {  	v20 =	vmul.f32 v20, v20;
	v7 =	vadd.f32 v7, v47;
	v10 =	vadd.f32 v10, v48  }
0x64: {  	v31 =	vbroadcast v1, $0xB;
	v13 =	vadd.f32 v13, v50;
	v18 =	vadd.f32 v18, v49  }
0x65: {  	v32 =	vbroadcast v3, $0xC;
	v9 =	vadd.f32 v19, v9;
	v14 =	vadd.f32 v20, v14  }
0x66: {  	v16 =	vadd.f32 v38, v16;
	v19 =	vadd.f32 v41, v5;
	v5 =	vmul.f32 v37, v37  }
0x67: {  	v20 =	vadd.f32 v42, v7;
	v23 =	vadd.f32 v43, v10;
	v7 =	vmul.f32 v36, v36  }
0x68: {  	s17 =	sshra.s32 s16, $0x2;
	v34 =	vbroadcast v1, $0xC;
	v21 =	vadd.f32 v21, v13;
	v25 =	vadd.f32 v22, v18  }
0x69: {  	v35 =	vbroadcast v3, $0xD;
	v10 =	vld [tilespmem:s17+$0x2200];
	v30 =	vadd.f32 v5, v9;
	v33 =	vadd.f32 v7, v14  }
0x6a: {  	v39 =	vbroadcast v1, $0xE;
	v4 =	vmin.f32 v4, v16;
	v7 =	vmin.f32 v16, v19  }
0x6b: {  	v9 =	vmin.f32 v20, v23;
	v14 =	vmin.f32 v21, v25;
	v16 =	vmin.f32 v30, v33  }
0x6c: {  	v40 =	vbroadcast v3, $0xF;
	v7 =	vmin.f32 v7, v9;
	v18 =	vmin.f32 v14, v16  }
0x6d: {  	s16 =	simm.s32 $0x0;
	v38 =	vbroadcast v3, $0xE;
	v5 =	vmin.f32 v28, v19;
	v19 =	vmin.f32 v7, v18  }
0x6e: {  	s18 =	sand.u32 $0x70, s16;
	s19 =	sand.u32 $0x1E00, s16;
	v13 =	vbroadcast v2, $0x8;
	v22 =	vbroadcast v3, $0xA;
	v19 =	vmin.f32 v10, v19  }
0x6f: {  	s31 =	sor.u32 s18, s19;
	v36 =	vbroadcast v1, $0xD;
	v24 =	vmin.f32 v17, v20;
	v28 =	vbroadcast v1, $0xA;
	[tilespmem:s17+$0x2200] =	vst v19  }
0x70: {  	v26 =	vmin.f32 v15, v23;
	v17 =	vbroadcast v2, $0xB;
	v23 =	vbroadcast v2, $0xC;
	v15 =	vld [tilespmem:s31+$0x300]  }
0x71: {  	v27 =	vmin.f32 v11, v21;
	v11 =	vbroadcast v2, $0xE;
	v9 =	vbroadcast v3, $0x8  }
0x72: {  	v20 =	vmin.f32 v12, v25;
	v14 =	vbroadcast v1, $0x8;
	v16 =	vbroadcast v3, $0x9  }
0x73: {  	v12 =	vmin.f32 v8, v30;
	v3 =	vbroadcast v2, $0xF;
	v18 =	vbroadcast v1, $0x9  }
0x74: {  	v8 =	vmin.f32 v6, v33;
	v7 =	vbroadcast v2, $0x9;
	v10 =	vbroadcast v2, $0xA;
	v6 =	vld [tilespmem:s31+$0x200]  }
0x75: {  	v19 =	vbroadcast v2, $0xD;
	v25 =	vsub.f32 v15, v14;
	v2 =	vsub.f32 v15, v18  }
0x76: {  	v42 =	vbroadcast v1, $0xF;
	v49 =	vld [tilespmem:s31+$0x280];
	v30 =	vsub.f32 v15, v28;
	v1 =	vsub.f32 v15, v31  }
0x77: {  	v44 =	vsub.f32 v15, v34;
	v43 =	vsub.f32 v15, v36  }
0x78: {  	v41 =	vsub.f32 v15, v39;
	v37 =	vsub.f32 v15, v42  }
0x79: {  	v21 =	vimm.f32 $+Inf;
	v15 =	vsub.f32 v6, v9;
	v63 =	vsub.f32 v6, v35  }
0x7a: {  	v33 =	vimm.f32 $+Inf;
	v57 =	vsub.f32 v6, v38;
	v56 =	vsub.f32 v6, v40  }
0x7b: {  	v58 =	vsub.f32 v49, v13;
	v47 =	vmul.f32 v25, v25;
	v25 =	vsub.f32 v6, v16  }
0x7c: {  	v48 =	vmul.f32 v2, v2;
	v2 =	vsub.f32 v6, v22;
	v46 =	vmul.f32 v30, v30  }
0x7d: {  	v30 =	vsub.f32 v6, v29;
	v45 =	vmul.f32 v1, v1;
	v1 =	vsub.f32 v6, v32  }
0x7e: {  	v55 =	vmul.f32 v15, v15;
	v50 =	vmul.f32 v63, v63;
	v15 =	vimm.f32 $+Inf  }
0x7f: {  	v6 =	vimm.f32 $+Inf;
	v54 =	vmul.f32 v25, v25;
	v53 =	vmul.f32 v2, v2  }
0x80: {  	v52 =	vmul.f32 v30, v30;
	v51 =	vmul.f32 v1, v1;
	v30 =	vimm.f32 $+Inf  }
0x81: {  	s17 =	simm.s32 $0x10;
	v25 =	vimm.f32 $+Inf;
	v2 =	vimm.f32 $+Inf;
	v1 =	vimm.f32 $+Inf  }
.LBB2_7:
0x82: {  	p1 =	sne.s32 s17, $0x7F0;
	v59 =	vsub.f32 v49, v7;
	v60 =	vsub.f32 v49, v10;
	v57 =	vmul.f32 v57, v57  }
0x83: {  	v61 =	vsub.f32 v49, v17;
	v62 =	vsub.f32 v49, v23;
	v56 =	vmul.f32 v56, v56  }
0x84: {  	v63 =	vsub.f32 v49, v19;
	v58 =	vmul.f32 v58, v58;
	v59 =	vmul.f32 v59, v59  }
0x85: {  	v0 =	vsub.f32 v49, v11;
	v60 =	vmul.f32 v60, v60;
	v61 =	vmul.f32 v61, v61  }
0x86: {  	v49 =	vsub.f32 v49, v3;
	v62 =	vmul.f32 v62, v62;
	v63 =	vmul.f32 v63, v63  }
0x87: {  	v0 =	vmul.f32 v0, v0;
	v55 =	vadd.f32 v58, v55;
	v54 =	vadd.f32 v59, v54  }
0x88: {  	v49 =	vmul.f32 v49, v49;
	v53 =	vadd.f32 v60, v53;
	v52 =	vadd.f32 v61, v52  }
0x89: {  	v44 =	vmul.f32 v44, v44;
	v51 =	vadd.f32 v62, v51;
	v50 =	vadd.f32 v63, v50  }
0x8a: {  	v43 =	vmul.f32 v43, v43;
	v0 =	vadd.f32 v0, v57;
	v49 =	vadd.f32 v49, v56  }
0x8b: {  	v41 =	vmul.f32 v41, v41;
	v47 =	vadd.f32 v47, v55;
	v48 =	vadd.f32 v48, v54  }
0x8c: {  	v37 =	vmul.f32 v37, v37;
	v46 =	vadd.f32 v46, v53;
	v45 =	vadd.f32 v45, v52  }
0x8d: {  	s18 =	sshra.s32 s16, $0x2;
	v44 =	vadd.f32 v44, v51;
	v43 =	vadd.f32 v43, v50;
	v21 =	vmin.f32 v21, v47  }
0x8e: {  	v0 =	vadd.f32 v41, v0;
	v37 =	vadd.f32 v37, v49;
	v33 =	vmin.f32 v33, v48;
	v41 =	vld [tilespmem:s18+$0x2200]  }
0x8f: {  	v30 =	vmin.f32 v30, v46;
	v25 =	vmin.f32 v25, v45;
	v47 =	vmin.f32 v47, v48  }
0x90: {  	v45 =	vmin.f32 v46, v45;
	v46 =	vmin.f32 v44, v43;
	v48 =	vmin.f32 v0, v37  }
0x91: {  	v15 =	vmin.f32 v15, v44;
	v44 =	vmin.f32 v47, v45;
	v45 =	vmin.f32 v46, v48  }
0x92: {  	s16 =	sadd.s32 $0x40, s16;
	v6 =	vmin.f32 v6, v43;
	v2 =	vmin.f32 v2, v0;
	v0 =	vmin.f32 v44, v45  }
0x93: {  	s19 =	sand.u32 $0x70, s17;
	s20 =	sand.u32 $0x1E00, s16;
	v1 =	vmin.f32 v1, v37;
	v0 =	vmin.f32 v41, v0  }
0x94: {  	s19 =	sor.u32 s19, s20;
	[tilespmem:s18+$0x2200] =	vst v0  }
0x95: {  	v0 =	vld [tilespmem:s19+$0x300];
	_ =	sdelay $0x3  }
0x96: {  	v50 =	vld [tilespmem:s19+$0x200]  }
0x97: {  	v37 =	vsub.f32 v0, v14;
	v45 =	vsub.f32 v0, v18  }
0x98: {  	v46 =	vsub.f32 v0, v28;
	v51 =	vsub.f32 v0, v31  }
0x99: {  	v44 =	vsub.f32 v0, v34;
	v43 =	vsub.f32 v0, v36  }
0x9a: {  	v41 =	vsub.f32 v0, v39;
	v47 =	vmul.f32 v37, v37;
	v37 =	vsub.f32 v0, v42  }
0x9b: {  	v48 =	vmul.f32 v45, v45;
	v49 =	vld [tilespmem:s19+$0x280];
	v0 =	vsub.f32 v50, v9;
	v52 =	vsub.f32 v50, v16  }
.Ltmp4:
0x9c: {  	v46 =	vmul.f32 v46, v46;
	v53 =	vsub.f32 v50, v22;
	v56 =	vsub.f32 v50, v29;
	(pc) =	sbr.rel @p1 .LBB2_7-.Ltmp4, $4  }
0x9d: {  	v45 =	vmul.f32 v51, v51;
	v51 =	vsub.f32 v50, v32;
	v59 =	vsub.f32 v50, v35  }
0x9e: {  	v57 =	vsub.f32 v50, v38;
	v55 =	vmul.f32 v0, v0;
	v54 =	vmul.f32 v52, v52  }
0x9f: {  	v53 =	vmul.f32 v53, v53;
	v52 =	vmul.f32 v56, v56;
	v56 =	vsub.f32 v50, v40  }
0xa0: {  	s17 =	sadd.s32 $0x10, s17;
	v51 =	vmul.f32 v51, v51;
	v50 =	vmul.f32 v59, v59;
	v58 =	vsub.f32 v49, v13  }
0xa1: {  	(xrf0) =	vmin.scan.msk.f32 $0xffff, v4;
	_ =	sdelay $0x1  }
0xa2: {  	(xrf0) =	vmin.scan.msk.f32 $0xffff, v5;
	_ =	sdelay $0x1  }
0xa3: {  	(xrf0) =	vmin.scan.msk.f32 $0xffff, v24;
	_ =	sdelay $0x1  }
0xa4: {  	v0, _, _ =	vpop (xrf0);
	(xrf0) =	vmin.scan.msk.f32 $0xffff, v26  }
0xa5: {  	(v2sf) =	vpush v0, $0xF  }
0xa6: {  	v29 =	vsub.f32 v49, v17;
	v9 =	vsub.f32 v49, v23;
	v28 =	vmul.f32 v58, v58;
	v26, _, _ =	vpop (xrf0);
	(xrf0) =	vmin.scan.msk.f32 $0xffff, v27  }
0xa7: {  	v24 =	vsub.f32 v49, v7;
	(v2sf) =	vpush v26, $0xF  }
0xa8: {  	v7 =	vadd.f32 v28, v55;
	v27 =	vsub.f32 v49, v10;
	v31, _, _ =	vpop (xrf0);
	(xrf0) =	vmin.scan.msk.f32 $0xffff, v20  }
0xa9: {  	v13 =	vmul.f32 v57, v57;
	v0 =	vmul.f32 v24, v24;
	(v2sf) =	vpush v31, $0xF  }
0xaa: {  	v32 =	vsub.f32 v49, v19;
	v7 =	vadd.f32 v47, v7;
	v5 =	vmul.f32 v27, v27;
	v14, _, _ =	vpop (xrf0);
	(xrf0) =	vmin.scan.msk.f32 $0xffff, v12  }
0xab: {  	v34 =	vmul.f32 v56, v56;
	v0 =	vadd.f32 v0, v54;
	(v2sf) =	vpush v14, $0xF  }
0xac: {  	v11 =	vsub.f32 v49, v11;
	v4 =	vmul.f32 v29, v29;
	v5 =	vadd.f32 v5, v53;
	v35, _, _ =	vpop (xrf0);
	(xrf0) =	vmin.scan.msk.f32 $0xffff, v8  }
0xad: {  	v36 =	vmin.f32 v21, v7;
	v0 =	vadd.f32 v48, v0;
	(v2sf) =	vpush v35, $0xF  }
0xae: {  	v3 =	vsub.f32 v49, v3;
	v9 =	vmul.f32 v9, v9;
	v4 =	vadd.f32 v4, v52;
	v38, _, _ =	vpop (xrf0);
	(xrf0) =	vmin.scan.msk.f32 $0xffff, v36  }
0xaf: {  	v5 =	vadd.f32 v46, v5;
	v39 =	vmin.f32 v33, v0;
	(v2sf) =	vpush v38, $0xF  }
0xb0: {  	v40 =	vmul.f32 v44, v44;
	v9 =	vadd.f32 v9, v51;
	v4 =	vadd.f32 v45, v4;
	v16, _, _ =	vpop (xrf0);
	(xrf0) =	vmin.scan.msk.f32 $0xffff, v39  }
0xb1: {  	v10 =	vmul.f32 v32, v32;
	v42 =	vmin.f32 v30, v5;
	(v2sf) =	vpush v16, $0xF  }
0xb2: {  	v43 =	vmul.f32 v43, v43;
	v11 =	vmul.f32 v11, v11;
	v45 =	vadd.f32 v40, v9;
	v44, _, _ =	vpop (xrf0);
	(xrf0) =	vmin.scan.msk.f32 $0xffff, v42  }
0xb3: {  	v10 =	vadd.f32 v10, v50;
	v46 =	vmin.f32 v25, v4;
	(v2sf) =	vpush v44, $0xF  }
0xb4: {  	v3 =	vmul.f32 v3, v3;
	v11 =	vadd.f32 v11, v13;
	v47 =	vmul.f32 v41, v41;
	v48, _, _ =	vpop (xrf0);
	(xrf0) =	vmin.scan.msk.f32 $0xffff, v46;
	s17 =	spop (v2sf)  }
0xb5: {  	v50 =	vmin.f32 v15, v45;
	v49 =	vadd.f32 v43, v10;
	(v2sf) =	vpush v48, $0xF;
	s15 =	sadd.f32 s17, s15  }
0xb6: {  	v3 =	vadd.f32 v3, v34;
	v51 =	vmul.f32 v37, v37;
	s30 =	spop (v2sf);
	v52, _, _ =	vpop (xrf0);
	(xrf0) =	vmin.scan.msk.f32 $0xffff, v50  }
0xb7: {  	v53 =	vadd.f32 v47, v11;
	v6 =	vmin.f32 v6, v49;
	s15 =	sadd.f32 s30, s15;
	(v2sf) =	vpush v52, $0xF  }
0xb8: {  	s31 =	spop (v2sf);
	v54, _, _ =	vpop (xrf0);
	(xrf0) =	vmin.scan.msk.f32 $0xffff, v6  }
0xb9: {  	v3 =	vadd.f32 v51, v3;
	v2 =	vmin.f32 v2, v53;
	(v2sf) =	vpush v54, $0xF;
	s15 =	sadd.f32 s31, s15  }
0xba: {  	v55, _, _ =	vpop (xrf0);
	(xrf0) =	vmin.scan.msk.f32 $0xffff, v2;
	s18 =	spop (v2sf)  }
0xbb: {  	v1 =	vmin.f32 v1, v3;
	(v2sf) =	vpush v55, $0xF;
	s15 =	sadd.f32 s18, s15  }
0xbc: {  	s19 =	spop (v2sf);
	v56, _, _ =	vpop (xrf0);
	(xrf0) =	vmin.scan.msk.f32 $0xffff, v1  }
0xbd: {  	s15 =	sadd.f32 s19, s15;
	(v2sf) =	vpush v56, $0xF  }
0xbe: {  	s20 =	spop (v2sf);
	v57, _, _ =	vpop (xrf0)  }
0xbf: {  	(v2sf) =	vpush v57, $0xF;
	s15 =	sadd.f32 s20, s15  }
0xc0: {  	v58, _, _ =	vpop (xrf0);
	s21 =	spop (v2sf)  }
0xc1: {  	(v2sf) =	vpush v58, $0xF;
	s15 =	sadd.f32 s21, s15  }
0xc2: {  	s22 =	spop (v2sf);
	v59, _, _ =	vpop (xrf0)  }
0xc3: {  	s15 =	sadd.f32 s22, s15;
	(v2sf) =	vpush v59, $0xF  }
0xc4: {  	s23 =	spop (v2sf)  }
0xc5: {  	s15 =	sadd.f32 s23, s15  }
0xc6: {  	s24 =	spop (v2sf)  }
0xc7: {  	s15 =	sadd.f32 s24, s15  }
0xc8: {  	s25 =	spop (v2sf)  }
0xc9: {  	s15 =	sadd.f32 s25, s15  }
0xca: {  	s26 =	spop (v2sf)  }
0xcb: {  	s15 =	sadd.f32 s26, s15  }
0xcc: {  	s16 =	sshra.s32 s16, $0x2;
	s28 =	spop (v2sf)  }
0xcd: {  	s14 =	sadd.s32 $0x1, s14;
	v60 =	vld [tilespmem:s16+$0x2200];
	s15 =	sadd.f32 s28, s15  }
0xce: {  	p1 =	sne.s32 s14, $0x8;
	v0 =	vmin.f32 v7, v0;
	s29 =	spop (v2sf)  }
.Ltmp5:
0xcf: {  	v62 =	vmin.f32 v45, v49;
	v3 =	vmin.f32 v53, v3;
	v61 =	vmin.f32 v5, v4;
	s15 =	sadd.f32 s29, s15;
	(pc) =	sbr.rel @p1 .LBB2_4-.Ltmp5, $4  }
0xd0: {  	v63 =	vmin.f32 v62, v3;
	v0 =	vmin.f32 v0, v61;
	s30 =	spop (v2sf)  }
0xd1: {  	v0 =	vmin.f32 v0, v63;
	s15 =	sadd.f32 s30, s15  }
0xd2: {  	v0 =	vmin.f32 v60, v0;
	s31 =	spop (v2sf)  }
0xd3: {  	[tilespmem:s16+$0x2200] =	vst v0;
	s15 =	sadd.f32 s31, s15  }
0xd4: {  	_ = 	snop  }
0xd5: {  	v0 =	vmov s15  }
0xd6: {  	[tilespmem:$0x2A00] =	vst v0  }
0xd7: {  	[spmem:s4] =	stream.linear.scatter [tilespmem:s10], [sflag:$0x1], $0x880, $0x38;
	[tilespmem:$0xBB10] =	vst v63  }
.Ltmp6:
0xd8: {  	_ =	swait.ge [sflag:s9], $0x880;
	(pc) =	sbr.rel @p0 .LBB2_13-.Ltmp6, $3  }
0xd9: {  	[sflag:s9] =	ssyncset.done $0x0  }
0xda: {  	[sflag:s9] =	ssyncadd.s32 $0xFFFFF780  }
0xdb: {  	[bflag:$0x0] =	sbarrier.arrive $0xFFFF;
	_ =	sdelay $0x1  }
0xdc: {  	s13 =	simm.s32 $0x2A80  }
0xdd: {  	[tilespmem:s13], [sflag:$0x1] =	stream.linear.gather [spmem:s4], $0x8800, $0x38;
	[tilespmem:$0xBB10] =	vst v63  }
0xde: {  	_ =	swait.ge [sflag:s9], $0x8800  }
0xdf: {  	[sflag:s9] =	ssyncset.done $0x0  }
0xe0: {  	s14 =	simm.s32 $0x0;
	[sflag:s9] =	ssyncadd.s32 $0xFFFF7800  }
0xe1: {  	s14 =	sand.u32 $0x7F0, s14;
	v6 =	vld [tilespmem:s13+$0x0]  }
0xe2: {  	v9 =	vld [tilespmem:s14+$0x3300]  }
0xe3: {  	v2 =	vld [tilespmem:s14+$0x3B80]  }
0xe4: {  	v3 =	vld [tilespmem:s14+$0x4400]  }
0xe5: {  	v4 =	vld [tilespmem:s14+$0x4C80]  }
0xe6: {  	v5 =	vld [tilespmem:s14+$0x5500]  }
0xe7: {  	v7 =	vld [tilespmem:s14+$0x5D80]  }
0xe8: {  	v8 =	vld [tilespmem:s14+$0x6600]  }
0xe9: {  	v10 =	vld [tilespmem:s14+$0x6E80]  }
0xea: {  	v11 =	vld [tilespmem:s14+$0x7700]  }
0xeb: {  	v12 =	vld [tilespmem:s14+$0x7F80]  }
0xec: {  	v14 =	vld [tilespmem:s14+$0x8800]  }
0xed: {  	v13 =	vld [tilespmem:s14+$0x9080]  }
0xee: {  	v15 =	vld [tilespmem:s14+$0x9900]  }
0xef: {  	v1 =	vimm.f32 $0.0e+00;
	s15 =	simm.s32 $0x10;
	v16 =	vld [tilespmem:s14+$0xA180]  }
.LBB2_11:
0xf0: {  	p1 =	sne.s32 s15, $0x7F0;
	v0 =	vld [tilespmem:s14+$0xAA00];
	s13 =	sadd.s32 $0x10, s13  }
0xf1: {  	s14 =	sand.u32 $0x7F0, s15;
	v17 =	vld [tilespmem:s13+$0x0]  }
0xf2: {  	v18 =	vld [tilespmem:s14+$0x3300]  }
0xf3: {  	v6 =	vmin.f32 v6, v9;
	v9 =	vmin.f32 v2, v3;
	v19 =	vmin.f32 v4, v5;
	v2 =	vld [tilespmem:s14+$0x3B80]  }
0xf4: {  	v7 =	vmin.f32 v7, v8;
	v8 =	vmin.f32 v10, v11;
	v10 =	vmin.f32 v12, v14;
	v3 =	vld [tilespmem:s14+$0x4400]  }
0xf5: {  	v11 =	vmin.f32 v13, v15;
	v13 =	vmin.f32 v6, v9;
	v4 =	vld [tilespmem:s14+$0x4C80];
	v0 =	vmin.f32 v16, v0  }
0xf6: {  	v12 =	vmin.f32 v19, v7;
	v8 =	vmin.f32 v8, v10;
	v5 =	vld [tilespmem:s14+$0x5500];
	v0 =	vmin.f32 v11, v0;
	v6 =	vmovc v17  }
0xf7: {  	v10 =	vmin.f32 v13, v12;
	v7 =	vld [tilespmem:s14+$0x5D80];
	v0 =	vmin.f32 v8, v0;
	v9 =	vmov v18  }
0xf8: {  	v8 =	vld [tilespmem:s14+$0x6600];
	v0 =	vmin.f32 v10, v0  }
0xf9: {  	v10 =	vld [tilespmem:s14+$0x6E80];
	v1 =	vadd.f32 v0, v1  }
0xfa: {  	v11 =	vld [tilespmem:s14+$0x7700]  }
.Ltmp7:
0xfb: {  	v12 =	vld [tilespmem:s14+$0x7F80];
	(pc) =	sbr.rel @p1 .LBB2_11-.Ltmp7, $4  }
0xfc: {  	v14 =	vld [tilespmem:s14+$0x8800]  }
0xfd: {  	v13 =	vld [tilespmem:s14+$0x9080]  }
0xfe: {  	v15 =	vld [tilespmem:s14+$0x9900]  }
0xff: {  	s15 =	sadd.s32 $0x10, s15;
	v16 =	vld [tilespmem:s14+$0xA180]  }
0x100: {  	v0 =	vld [tilespmem:s14+$0xAA00];
	_ =	sdelay $0x2  }
0x101: {  	v6 =	vmin.f32 v6, v9;
	v2 =	vmin.f32 v2, v3;
	v40 =	vmin.f32 v4, v5  }
0x102: {  	v41 =	vmin.f32 v7, v8;
	v42 =	vmin.f32 v10, v11;
	v43 =	vmin.f32 v12, v14  }
0x103: {  	v2 =	vmin.f32 v6, v2;
	v44 =	vmin.f32 v13, v15;
	v0 =	vmin.f32 v16, v0  }
0x104: {  	v3 =	vmin.f32 v40, v41;
	v45 =	vmin.f32 v42, v43;
	v0 =	vmin.f32 v44, v0  }
0x105: {  	v2 =	vmin.f32 v2, v3;
	v0 =	vmin.f32 v45, v0  }
0x106: {  	v0 =	vmin.f32 v2, v0  }
0x107: {  	v0 =	vadd.f32 v0, v1;
	_ =	sdelay $0x1  }
0x108: {  	(xrf2) =	vadd.scan.msk.f32 $0xffff, v0;
	_ =	sdelay $0x6  }
0x109: {  	v46 =	vld [tilespmem:$0x3280]  }
0x10a: {  	v47 =	vld [tilespmem:$0x3B00];
	_ =	sdelay $0x1  }
0x10b: {  	v49 =	vld [tilespmem:$0x4380];
	v48, _, _ =	vpop (xrf2)  }
0x10c: {  	(v2sf) =	vpush v48, $0xF  }
0x10d: {  	v50 =	vld [tilespmem:$0x4C00];
	(v2sf) =	vpush v46, $0x0  }
0x10e: {  	(v2sf) =	vpush v47, $0x0  }
0x10f: {  	v51 =	vld [tilespmem:$0x5480]  }
0x110: {  	(v2sf) =	vpush v49, $0x0  }
0x111: {  	v52 =	vld [tilespmem:$0x5D00]  }
0x112: {  	(v2sf) =	vpush v50, $0x0  }
0x113: {  	v53 =	vld [tilespmem:$0x6580]  }
0x114: {  	(v2sf) =	vpush v51, $0x0  }
0x115: {  	v54 =	vld [tilespmem:$0x6E00]  }
0x116: {  	(v2sf) =	vpush v52, $0x0  }
0x117: {  	v55 =	vld [tilespmem:$0x7680]  }
0x118: {  	(v2sf) =	vpush v53, $0x0  }
0x119: {  	v56 =	vld [tilespmem:$0x7F00]  }
0x11a: {  	(v2sf) =	vpush v54, $0x0  }
0x11b: {  	v57 =	vld [tilespmem:$0x8780];
	s13 =	spop (v2sf)  }
0x11c: {  	(v2sf) =	vpush v55, $0x0;
	s16 =	spop (v2sf)  }
0x11d: {  	v58 =	vld [tilespmem:$0x9000];
	s15 =	spop (v2sf)  }
0x11e: {  	(v2sf) =	vpush v56, $0x0;
	s14 =	sadd.f32 s15, s16  }
0x11f: {  	v59 =	vld [tilespmem:$0x9880];
	s17 =	spop (v2sf)  }
0x120: {  	(v2sf) =	vpush v57, $0x0;
	s14 =	sadd.f32 s17, s14  }
0x121: {  	v60 =	vld [tilespmem:$0xA100];
	s18 =	spop (v2sf)  }
0x122: {  	(v2sf) =	vpush v58, $0x0;
	s14 =	sadd.f32 s18, s14  }
0x123: {  	v61 =	vld [tilespmem:$0xA980];
	s19 =	spop (v2sf)  }
0x124: {  	(v2sf) =	vpush v59, $0x0;
	s14 =	sadd.f32 s19, s14  }
0x125: {  	v62 =	vld [tilespmem:$0xB200];
	s20 =	spop (v2sf)  }
0x126: {  	(v2sf) =	vpush v60, $0x0;
	s14 =	sadd.f32 s20, s14  }
0x127: {  	s21 =	spop (v2sf)  }
0x128: {  	(v2sf) =	vpush v61, $0x0;
	s14 =	sadd.f32 s21, s14  }
0x129: {  	s22 =	spop (v2sf)  }
0x12a: {  	(v2sf) =	vpush v62, $0x0;
	s14 =	sadd.f32 s22, s14  }
0x12b: {  	s23 =	spop (v2sf)  }
0x12c: {  	s14 =	sadd.f32 s23, s14  }
0x12d: {  	s24 =	spop (v2sf)  }
0x12e: {  	s14 =	sadd.f32 s24, s14  }
0x12f: {  	s25 =	spop (v2sf)  }
0x130: {  	s14 =	sadd.f32 s25, s14  }
0x131: {  	s26 =	spop (v2sf)  }
0x132: {  	s14 =	sadd.f32 s26, s14  }
0x133: {  	s28 =	spop (v2sf)  }
0x134: {  	s14 =	sadd.f32 s28, s14  }
0x135: {  	s29 =	spop (v2sf)  }
0x136: {  	s14 =	sadd.f32 s29, s14  }
0x137: {  	s30 =	spop (v2sf)  }
0x138: {  	s14 =	sadd.f32 s30, s14  }
0x139: {  	s31 =	spop (v2sf)  }
0x13a: {  	s14 =	sadd.f32 s31, s14;
	_ =	sdelay $0x1  }
0x13b: {  	s13 =	sadd.f32 s14, s13;
	_ =	sdelay $0x1  }
0x13c: {  	s13 =	smul.f32 $4.882812500e-04, s13;
	_ =	sdelay $0x1  }
0x13d: {  	v63 =	vmov s13  }
.Ltmp8:
0x13e: {  	[tilespmem:$0xB280] =	vst v63;
	(pc) =	sbr.rel .LBB2_13-.Ltmp8, $4  }
0x13f: {  	[hbm4b:s5+s1] =	stream.linear.scatter [tilespmem:s11], [sflag:$0x1], $0x80, $0x38;
	[tilespmem:$0xBB10] =	vst v63  }
0x140: {  	_ =	swait.ge [sflag:s9], $0x80  }
0x141: {  	[sflag:s9] =	ssyncset.done $0x0  }
0x142: {  	[sflag:s9] =	ssyncadd.s32 $0xFFFFFF80  }
.LBB2_14:
0x143: {  	_ =	sfence.sel $0x180000  }
0x144: {  	[bflag:$0x0] =	sbarrier.arrive $0xFFFF  }
0x145: {  	_ =	strace $0x90000047  }
0x146: {  	s0 =	sadd.s32 @!p0 $0x100000, s0;
	[bflag:$0x2] =	sbarrier.arrive $0xFFFF  }
0x147: {  	[sflag:s0] =	ssyncadd.tile.s32 @!p0 $0x1;
	_ =	shalt  }
.Lfunc_end2:
_tile_overlayer_lowered:
.L_overlay_start_2:
0x148: {  	(tag) =	ssettag $0x2  }
0x149: {  	s0 =	rddreg [dreg:$0x0];
	s2 =	stileid.u32  }
0x14a: {  	s1 =	rddreg [dreg:$0x1];
	p0 =	sne.s32 s2, $0x0  }
0x14b: {  	s3 =	rddreg [dreg:$0x2];
	[bflag:$0x3] =	sbarrier.arrive $0xFFFF;
	s2 =	simm.s32 @!p0 $0x1C01  }
0x14c: {  	[timem:s3], [sflag:s2] =	dma.local @!p0 [hbm:s0], s1  }
0x14d: {  	s0 =	simm.s32 @!p0 $0x1  }
0x14e: {  	_ =	swait.ge @!p0 [sflag:s0], s1  }
0x14f: {  	s1 =	ssub.s32 @!p0 $0x0, s1;
	[sflag:s0] =	ssyncset.done @!p0 $0x0  }
0x150: {  	[sflag:s0] =	ssyncadd.s32 @!p0 s1  }
0x151: {  	[bflag:$0x3] =	sbarrier.arrive $0xFFFF  }
0x152: {  	_ =	shalt  }

</sc_bundles>
